<compile_context>
chip_gen: v7x
topology: tpu7x:2x2x1
jax: 0.10.2.dev20260603
libtpu: 0.0.44.dev20260713+nightly
codegen_flags: <defaults>
</compile_context>

<pallas_src>
import functools
import hashlib

import jax
import jax.numpy as jnp
import numpy as np
from jax import lax
from jax.experimental import pallas as pl
from jax.experimental.pallas import tpu as pltpu
from jax.experimental.pallas import tpu_sc as plsc

NUM_BUCKETS = 100000
EMBED_DIM = 32
VOCAB = 1000000

BATCH, SEQ = 4096, 50
NC, NS = 2, 16
NW = NC * NS
ROWS_PER_W = BATCH // NW
TOK_PER_W = ROWS_PER_W * SEQ
LANES = 16

CHUNK = 80
NCHUNK = TOK_PER_W // CHUNK
S1G = 10
NS1G = NCHUNK // S1G
GROUPC = 10
GROUP_TOK = GROUPC * CHUNK
GROUP_ROWS = GROUP_TOK // SEQ
NGROUPS = NCHUNK // GROUPC


def _build_lut() -> np.ndarray:
    lut = np.empty((VOCAB,), dtype=np.int32)
    for t in range(VOCAB):
        h = hashlib.md5(str(t).encode()).hexdigest()
        lut[t] = int(h, 16) % NUM_BUCKETS
    return lut


_LUT = _build_lut()


def _make_sc_kernel():
    mesh = plsc.VectorSubcoreMesh(core_axis_name="c", subcore_axis_name="s")

    @functools.partial(
        pl.kernel,
        mesh=mesh,
        compiler_params=pltpu.CompilerParams(use_tc_tiling_on_sc=False,
                                             needs_layout_passes=False),
        out_type=jax.ShapeDtypeStruct((SEQ, EMBED_DIM // 8, NW, 8, BATCH // NW),
                                      jnp.float32),
        scratch_types=[
            pltpu.VMEM((ROWS_PER_W, SEQ), jnp.int32),
            pltpu.VMEM((TOK_PER_W,), jnp.int32),
            pltpu.VMEM((TOK_PER_W,), jnp.int32),
            pltpu.VMEM((2, GROUP_TOK, EMBED_DIM), jnp.float32),
            pltpu.VMEM((2, SEQ, EMBED_DIM // 8, 8, GROUP_ROWS), jnp.float32),
            pltpu.SemaphoreType.DMA,
            pltpu.SemaphoreType.DMA,
            pltpu.SemaphoreType.DMA,
        ],
    )
    def k(ids_hbm, lut_hbm, table_hbm, out_hbm, ids_v, flat_v, hashed_v,
          rows_v, tr_v, sem1, sem2, sem3):
        wid = lax.axis_index("s") * NC + lax.axis_index("c")
        b0 = wid * ROWS_PER_W
        lane = lax.iota(jnp.int32, LANES)

        pltpu.sync_copy(ids_hbm.at[pl.ds(b0, ROWS_PER_W)], ids_v)

        @plsc.parallel_loop(0, TOK_PER_W // LANES, 1, unroll=4)
        def repack(i):
            o = i * LANES
            t = o + lane
            flat_v[pl.ds(o, LANES)] = plsc.load_gather(
                ids_v, [t // SEQ, lax.rem(t, SEQ)])

        def fire_lut(j, c):
            pltpu.async_copy(lut_hbm.at[flat_v.at[pl.ds(j * CHUNK, CHUNK)]],
                             hashed_v.at[pl.ds(j * CHUNK, CHUNK)], sem1)
            return c

        def fire_lut_window(w):
            lax.fori_loop(w * S1G, (w + 1) * S1G, fire_lut, 0)

        def wait_lut_window():
            pltpu.make_async_copy(lut_hbm.at[pl.ds(0, S1G * CHUNK)],
                                  hashed_v.at[pl.ds(0, S1G * CHUNK)],
                                  sem1).wait()

        fire_lut_window(0)
        wait_lut_window()
        fire_lut_window(1)

        lane50 = lane * SEQ

        def fire_group(g):
            vbuf = lax.rem(g, 2)

            def fire_rows(j, c2):
                pltpu.async_copy(
                    table_hbm.at[hashed_v.at[pl.ds((g * GROUPC + j) * CHUNK,
                                                   CHUNK)]],
                    rows_v.at[vbuf].at[pl.ds(j * CHUNK, CHUNK)], sem2)
                return c2
            lax.fori_loop(0, GROUPC, fire_rows, 0)

        fire_group(0)

        def group(g, c):
            vbuf = lax.rem(g, 2)

            @pl.when(g + 1 < NGROUPS)
            def _():
                wait_lut_window()

                @pl.when(g + 2 < NS1G)
                def _():
                    fire_lut_window(g + 2)

                fire_group(g + 1)

            pltpu.make_async_copy(
                table_hbm.at[pl.ds(0, GROUP_TOK)], rows_v.at[vbuf],
                sem2).wait()

            @pl.when(g >= 2)
            def _():
                pltpu.make_async_copy(out_hbm.at[:, :, 0, :, pl.ds(0, GROUP_ROWS)],
                                      tr_v.at[vbuf], sem3).wait()

            @plsc.parallel_loop(0, SEQ, 1, unroll=2)
            def trans_row(s):
                rowvec = lane50 + s
                src = rows_v.at[vbuf]
                for d in range(EMBED_DIM):
                    tr_v[vbuf, s, d // 8, d % 8, :] = plsc.load_gather(
                        src, [rowvec, jnp.full((LANES,), d, jnp.int32)])

            pltpu.async_copy(
                tr_v.at[vbuf],
                out_hbm.at[:, :, wid, :, pl.ds(g * GROUP_ROWS, GROUP_ROWS)],
                sem3)
            return c
        lax.fori_loop(0, NGROUPS, group, 0)

        pltpu.make_async_copy(out_hbm.at[:, :, 0, :, pl.ds(0, GROUP_ROWS)],
                              tr_v.at[0], sem3).wait()
        pltpu.make_async_copy(out_hbm.at[:, :, 0, :, pl.ds(0, GROUP_ROWS)],
                              tr_v.at[1], sem3).wait()

    return k


_sc_lookup = _make_sc_kernel()


def kernel(input_ids, table):
    out_t = _sc_lookup(input_ids, jnp.asarray(_LUT), table)
    return jnp.transpose(out_t, (2, 4, 0, 1, 3)).reshape(BATCH, SEQ, EMBED_DIM)

# --- scband reference (transcript-rebuilt; emitter-appended) ---
"""Pipeline reference for scband-hash-embedding-46136538693901 (READ-ONLY COPY).

The authoritative reference and input builder live on the scoring server;
editing this copy changes nothing except your own understanding.
"""

import jax, jax.numpy as jnp
import numpy as np
import hashlib

NUM_BUCKETS = 100000
EMBED_DIM = 32
VOCAB = 1000000

def _hash_token(token_id):
    return int(hashlib.md5(str(int(token_id)).encode()).hexdigest(), 16) % NUM_BUCKETS

_HASH_LUT = jnp.asarray(
    np.array([_hash_token(t) for t in range(VOCAB)], dtype=np.int32)
)

def setup_inputs(seed: int = 0):
    key = jax.random.key(seed)
    k1, k2 = jax.random.split(key)
    input_ids = jax.random.randint(k1, (4096, 50), 0, VOCAB, dtype=jnp.int32)
    table = jax.random.normal(k2, (NUM_BUCKETS, EMBED_DIM), dtype=jnp.float32)
    return {"input_ids": input_ids, "table": table}

def reference(input_ids, table):
    # Faithful translation: md5-hash each token id to a bucket, then embedding lookup.
    flat = input_ids.reshape(-1)
    hashed_ids = jnp.take(_HASH_LUT, flat, axis=0)
    out = jnp.take(table, hashed_ids, axis=0)
    return out.reshape(*input_ids.shape, -1)

if __name__ == "__main__":
    import jax
    _d = setup_inputs()
    print(jax.jit(kernel)(*tuple(_d.values())))

</pallas_src>

<mosaic_0001>
#map = affine_map<(d0, d1) -> (0, 0)>
#map1 = affine_map<(d0, d1) -> (0)>
#map2 = affine_map<(d0, d1) -> (0, 0, 0, 0, 0)>
module attributes {stable_mosaic.version = 14 : i64} {
  func.func @k(%arg0: i32, %arg1: i32, %arg2: memref<4096x50xi32, #tpu.memory_space<hbm>>, %arg3: memref<1000000xi32, #tpu.memory_space<hbm>>, %arg4: memref<100000x32xf32, #tpu.memory_space<hbm>>, %arg5: memref<50x4x32x8x128xf32, #tpu.memory_space<hbm>>, %arg6: memref<128x50xi32, #tpu.memory_space<vmem>>, %arg7: memref<6400xi32, #tpu.memory_space<vmem>>, %arg8: memref<6400xi32, #tpu.memory_space<vmem>>, %arg9: memref<2x800x32xf32, #tpu.memory_space<vmem>>, %arg10: memref<2x50x4x8x16xf32, #tpu.memory_space<vmem>>, %arg11: memref<!tpu.dma_semaphore, #tpu.memory_space<semaphore_mem>>, %arg12: memref<!tpu.dma_semaphore, #tpu.memory_space<semaphore_mem>>, %arg13: memref<!tpu.dma_semaphore, #tpu.memory_space<semaphore_mem>>) attributes {dimension_semantics = [#tpu.dimension_semantics<core_parallel>, #tpu.dimension_semantics<subcore_parallel>], iteration_bounds = array<i64: 2, 16>, scalar_prefetch = 0 : i64, scratch_operands = 8 : i64, tpu.core_type = #tpu.core_type<sc_vector_subcore>, window_params = [{transform_indices = #map}, {transform_indices = #map1}, {transform_indices = #map}, {transform_indices = #map2}]} {
    %mul3A = arith.constant 2 : i32
    %mul3A_0 = arith.muli %arg1, %mul3A : i32
    %add3A = arith.addi %mul3A_0, %arg0 : i32
    %mul3A_1 = arith.constant 128 : i32
    %mul3A_2 = arith.muli %add3A, %mul3A_1 : i32
    %iota3A = tpu.iota {dimensions = array<i32: 0>} : vector<16xi32>
    "tpu.region"() ({
      %run_scoped3A = tpu.sem_alloc : memref<!tpu.dma_semaphore, #tpu.memory_space<semaphore_mem>>
      %dma_start3A = arith.constant 0 : i32
      %dma_start3A_92 = tpu.memref_slice %arg2[%mul3A_2, %dma_start3A] : memref<4096x50xi32, #tpu.memory_space<hbm>> -> memref<128x50xi32, #tpu.memory_space<hbm>>
      %dma_start3A_93 = arith.constant 0 : i32
      %dma_start3A_94 = tpu.memref_slice %arg2[%mul3A_2, %dma_start3A_93] : memref<4096x50xi32, #tpu.memory_space<hbm>> -> memref<128x50xi32, #tpu.memory_space<hbm>>
      tpu.enqueue_dma source(%dma_start3A_94 : memref<128x50xi32, #tpu.memory_space<hbm>>) target(%arg6 : memref<128x50xi32, #tpu.memory_space<vmem>>) target_semaphore(%run_scoped3A : memref<!tpu.dma_semaphore, #tpu.memory_space<semaphore_mem>>)
      %dma_wait3A_95 = arith.constant 0 : i32
      %dma_wait3A_96 = tpu.memref_slice %arg2[%mul3A_2, %dma_wait3A_95] : memref<4096x50xi32, #tpu.memory_space<hbm>> -> memref<128x50xi32, #tpu.memory_space<hbm>>
      %dma_wait3A_97 = arith.constant 0 : i32
      %dma_wait3A_98 = tpu.memref_slice %arg2[%mul3A_2, %dma_wait3A_97] : memref<4096x50xi32, #tpu.memory_space<hbm>> -> memref<128x50xi32, #tpu.memory_space<hbm>>
      tpu.wait_dma2 semaphore(%run_scoped3A : memref<!tpu.dma_semaphore, #tpu.memory_space<semaphore_mem>>) src(%dma_wait3A_98 : memref<128x50xi32, #tpu.memory_space<hbm>>) dst(%arg6 : memref<128x50xi32, #tpu.memory_space<vmem>>)
      tpu.yield
    }) : () -> ()
    %parallel_loop3A = arith.constant 0 : i32
    %parallel_loop3A_3 = arith.constant 400 : i32
    %parallel_loop3A_4 = arith.constant 1 : i32
    scf.for %parallel_loop3A_92 = %parallel_loop3A to %parallel_loop3A_3 step %parallel_loop3A_4  : i32 {
      %parallel_loop3A_93 = arith.constant 16 : i32
      %parallel_loop3A_94 = arith.muli %parallel_loop3A_92, %parallel_loop3A_93 : i32
      %parallel_loop3A_95 = vector.broadcast %parallel_loop3A_94 : i32 to vector<16xi32>
      %parallel_loop3A_96 = arith.addi %parallel_loop3A_95, %iota3A : vector<16xi32>
      %parallel_loop3A_97 = arith.constant 50 : i32
      %parallel_loop3A_98 = vector.broadcast %parallel_loop3A_97 : i32 to vector<16xi32>
      %parallel_loop3A_99 = arith.divsi %parallel_loop3A_96, %parallel_loop3A_98 : vector<16xi32>
      %parallel_loop3A_100 = arith.constant 0 : i32
      %parallel_loop3A_101 = vector.broadcast %parallel_loop3A_100 : i32 to vector<16xi32>
      %parallel_loop3A_102 = arith.cmpi sgt, %parallel_loop3A_96, %parallel_loop3A_101 : vector<16xi32>
      %parallel_loop3A_103 = arith.extui %parallel_loop3A_102 : vector<16xi1> to vector<16xi32>
      %parallel_loop3A_104 = arith.constant 0 : i32
      %parallel_loop3A_105 = vector.broadcast %parallel_loop3A_104 : i32 to vector<16xi32>
      %parallel_loop3A_106 = arith.cmpi slt, %parallel_loop3A_96, %parallel_loop3A_105 : vector<16xi32>
      %parallel_loop3A_107 = arith.extui %parallel_loop3A_106 : vector<16xi1> to vector<16xi32>
      %parallel_loop3A_108 = arith.subi %parallel_loop3A_103, %parallel_loop3A_107 : vector<16xi32>
      %parallel_loop3A_109 = arith.constant 0 : i32
      %parallel_loop3A_110 = arith.cmpi sgt, %parallel_loop3A_97, %parallel_loop3A_109 : i32
      %parallel_loop3A_111 = arith.extui %parallel_loop3A_110 : i1 to i32
      %parallel_loop3A_112 = arith.constant 0 : i32
      %parallel_loop3A_113 = arith.cmpi slt, %parallel_loop3A_97, %parallel_loop3A_112 : i32
      %parallel_loop3A_114 = arith.extui %parallel_loop3A_113 : i1 to i32
      %parallel_loop3A_115 = arith.subi %parallel_loop3A_111, %parallel_loop3A_114 : i32
      %parallel_loop3A_116 = vector.broadcast %parallel_loop3A_115 : i32 to vector<16xi32>
      %parallel_loop3A_117 = arith.cmpi ne, %parallel_loop3A_108, %parallel_loop3A_116 : vector<16xi32>
      %parallel_loop3A_118 = vector.broadcast %parallel_loop3A_97 : i32 to vector<16xi32>
      %parallel_loop3A_119 = arith.remsi %parallel_loop3A_96, %parallel_loop3A_118 : vector<16xi32>
      %parallel_loop3A_120 = arith.constant 0 : i32
      %parallel_loop3A_121 = vector.broadcast %parallel_loop3A_120 : i32 to vector<16xi32>
      %parallel_loop3A_122 = arith.cmpi ne, %parallel_loop3A_119, %parallel_loop3A_121 : vector<16xi32>
      %parallel_loop3A_123 = arith.andi %parallel_loop3A_117, %parallel_loop3A_122 : vector<16xi1>
      %parallel_loop3A_124 = arith.constant 1 : i32
      %parallel_loop3A_125 = vector.broadcast %parallel_loop3A_124 : i32 to vector<16xi32>
      %parallel_loop3A_126 = arith.subi %parallel_loop3A_99, %parallel_loop3A_125 : vector<16xi32>
      %parallel_loop3A_127 = arith.select %parallel_loop3A_123, %parallel_loop3A_126, %parallel_loop3A_99 : vector<16xi1>, vector<16xi32>
      %parallel_loop3A_128 = arith.constant 50 : i32
      %parallel_loop3A_129 = vector.broadcast %parallel_loop3A_128 : i32 to vector<16xi32>
      %parallel_loop3A_130 = arith.remsi %parallel_loop3A_96, %parallel_loop3A_129 : vector<16xi32>
      %parallel_loop3A_131 = tpu.vector_load_idx %arg6[%parallel_loop3A_127, %parallel_loop3A_130] : memref<128x50xi32, #tpu.memory_space<vmem>>[vector<16xi32>, vector<16xi32>], vector<16xi32>,
      %parallel_loop3A_132 = arith.index_cast %parallel_loop3A_94 : i32 to index
      %parallel_loop3A_133 = tpu.vector_load %arg7[%parallel_loop3A_132] {strides = array<i32>} : memref<6400xi32, #tpu.memory_space<vmem>>, vector<16xi32>,
      tpu.vector_store %arg7[%parallel_loop3A_132], %parallel_loop3A_131 {strides = array<i32>} : memref<6400xi32, #tpu.memory_space<vmem>>, vector<16xi32>,
    } {sc.loop_unroll_factor = 4 : i64, sc.parallel_access}
    %scan3A = arith.constant 0 : i32
    %scan3A_5 = arith.constant 0 : i32
    %scan3A_6 = arith.constant 10 : i32
    %scan3A_7 = arith.addi %scan3A_5, %scan3A_6 : i32
    %scan3A_8 = arith.constant 1 : i32
    scf.for %scan3A_92 = %scan3A_5 to %scan3A_7 step %scan3A_8  : i32 {
      %mul3A_93 = arith.constant 80 : i32
      %mul3A_94 = arith.muli %scan3A_92, %mul3A_93 : i32
      %mul3A_95 = arith.constant 80 : i32
      %mul3A_96 = arith.muli %scan3A_92, %mul3A_95 : i32
      %dma_start3A = tpu.memref_slice %arg8[%mul3A_96] : memref<6400xi32, #tpu.memory_space<vmem>> -> memref<80xi32, #tpu.memory_space<vmem>>
      %dma_start3A_97 = tpu.memref_slice %arg7[%mul3A_94] : memref<6400xi32, #tpu.memory_space<vmem>> -> memref<80xi32, #tpu.memory_space<vmem>>
      %dma_start3A_98 = arith.constant 0 : i32
      %dma_start3A_99 = tpu.memref_slice %arg3[%dma_start3A_98] : memref<1000000xi32, #tpu.memory_space<hbm>> -> memref<1000000xi32, #tpu.memory_space<hbm>>
      tpu.enqueue_indirect_dma source(%dma_start3A_99 : memref<1000000xi32, #tpu.memory_space<hbm>>) target(%dma_start3A : memref<80xi32, #tpu.memory_space<vmem>>) offsets(%dma_start3A_97 : memref<80xi32, #tpu.memory_space<vmem>>) semaphore(%arg11 : memref<!tpu.dma_semaphore, #tpu.memory_space<semaphore_mem>>)
    }
    %scan3A_9 = arith.constant 10 : i32
    %dma_wait3A = arith.constant 0 : i32
    %dma_wait3A_10 = tpu.memref_slice %arg8[%dma_wait3A] : memref<6400xi32, #tpu.memory_space<vmem>> -> memref<800xi32, #tpu.memory_space<vmem>>
    %dma_wait3A_11 = arith.constant 0 : i32
    %dma_wait3A_12 = tpu.memref_slice %arg3[%dma_wait3A_11] : memref<1000000xi32, #tpu.memory_space<hbm>> -> memref<800xi32, #tpu.memory_space<hbm>>
    %dma_wait3A_13 = arith.constant 0 : i32
    %dma_wait3A_14 = tpu.memref_slice %arg8[%dma_wait3A_13] : memref<6400xi32, #tpu.memory_space<vmem>> -> memref<800xi32, #tpu.memory_space<vmem>>
    %dma_wait3A_15 = arith.constant 0 : i32
    %dma_wait3A_16 = tpu.memref_slice %arg3[%dma_wait3A_15] : memref<1000000xi32, #tpu.memory_space<hbm>> -> memref<800xi32, #tpu.memory_space<hbm>>
    tpu.wait_dma2 semaphore(%arg11 : memref<!tpu.dma_semaphore, #tpu.memory_space<semaphore_mem>>) src(%dma_wait3A_16 : memref<800xi32, #tpu.memory_space<hbm>>) dst(%dma_wait3A_14 : memref<800xi32, #tpu.memory_space<vmem>>)
    %scan3A_17 = arith.constant 0 : i32
    %scan3A_18 = arith.constant 10 : i32
    %scan3A_19 = arith.constant 10 : i32
    %scan3A_20 = arith.addi %scan3A_18, %scan3A_19 : i32
    %scan3A_21 = arith.constant 1 : i32
    scf.for %scan3A_92 = %scan3A_18 to %scan3A_20 step %scan3A_21  : i32 {
      %mul3A_93 = arith.constant 80 : i32
      %mul3A_94 = arith.muli %scan3A_92, %mul3A_93 : i32
      %mul3A_95 = arith.constant 80 : i32
      %mul3A_96 = arith.muli %scan3A_92, %mul3A_95 : i32
      %dma_start3A = tpu.memref_slice %arg8[%mul3A_96] : memref<6400xi32, #tpu.memory_space<vmem>> -> memref<80xi32, #tpu.memory_space<vmem>>
      %dma_start3A_97 = tpu.memref_slice %arg7[%mul3A_94] : memref<6400xi32, #tpu.memory_space<vmem>> -> memref<80xi32, #tpu.memory_space<vmem>>
      %dma_start3A_98 = arith.constant 0 : i32
      %dma_start3A_99 = tpu.memref_slice %arg3[%dma_start3A_98] : memref<1000000xi32, #tpu.memory_space<hbm>> -> memref<1000000xi32, #tpu.memory_space<hbm>>
      tpu.enqueue_indirect_dma source(%dma_start3A_99 : memref<1000000xi32, #tpu.memory_space<hbm>>) target(%dma_start3A : memref<80xi32, #tpu.memory_space<vmem>>) offsets(%dma_start3A_97 : memref<80xi32, #tpu.memory_space<vmem>>) semaphore(%arg11 : memref<!tpu.dma_semaphore, #tpu.memory_space<semaphore_mem>>)
    }
    %scan3A_22 = arith.constant 10 : i32
    %mul3A_23 = arith.constant 50 : i32
    %mul3A_24 = vector.broadcast %mul3A_23 : i32 to vector<16xi32>
    %mul3A_25 = arith.muli %iota3A, %mul3A_24 : vector<16xi32>
    %rem3A = arith.constant 0 : i32
    %rem3A_26 = arith.constant 2 : i32
    %rem3A_27 = arith.remsi %rem3A, %rem3A_26 : i32
    %scan3A_28 = arith.constant 0 : i32
    %scan3A_29 = arith.constant 0 : i32
    %scan3A_30 = arith.constant 10 : i32
    %scan3A_31 = arith.addi %scan3A_29, %scan3A_30 : i32
    %scan3A_32 = arith.constant 1 : i32
    scf.for %scan3A_92 = %scan3A_29 to %scan3A_31 step %scan3A_32  : i32 {
      %add3A_93 = arith.constant 0 : i32
      %add3A_94 = arith.addi %add3A_93, %scan3A_92 : i32
      %mul3A_95 = arith.constant 80 : i32
      %mul3A_96 = arith.muli %add3A_94, %mul3A_95 : i32
      %mul3A_97 = arith.constant 80 : i32
      %mul3A_98 = arith.muli %scan3A_92, %mul3A_97 : i32
      %dma_start3A = arith.constant 0 : i32
      %dma_start3A_99 = arith.constant 0 : i32
      %dma_start3A_100 = tpu.memref_slice %arg9[%rem3A_27, %dma_start3A, %dma_start3A_99] : memref<2x800x32xf32, #tpu.memory_space<vmem>> -> memref<1x800x32xf32, #tpu.memory_space<vmem>>
      %dma_start3A_101 = tpu.memref_squeeze %dma_start3A_100 : memref<1x800x32xf32, #tpu.memory_space<vmem>> -> memref<800x32xf32, #tpu.memory_space<vmem>>
      %dma_start3A_102 = arith.constant 0 : i32
      %dma_start3A_103 = tpu.memref_slice %dma_start3A_101[%mul3A_98, %dma_start3A_102] : memref<800x32xf32, #tpu.memory_space<vmem>> -> memref<80x32xf32, #tpu.memory_space<vmem>>
      %dma_start3A_104 = tpu.memref_slice %arg8[%mul3A_96] : memref<6400xi32, #tpu.memory_space<vmem>> -> memref<80xi32, #tpu.memory_space<vmem>>
      %dma_start3A_105 = arith.constant 0 : i32
      %dma_start3A_106 = arith.constant 0 : i32
      %dma_start3A_107 = tpu.memref_slice %arg4[%dma_start3A_105, %dma_start3A_106] : memref<100000x32xf32, #tpu.memory_space<hbm>> -> memref<100000x32xf32, #tpu.memory_space<hbm>>
      tpu.enqueue_indirect_dma source(%dma_start3A_107 : memref<100000x32xf32, #tpu.memory_space<hbm>>) target(%dma_start3A_103 : memref<80x32xf32, #tpu.memory_space<vmem>>) offsets(%dma_start3A_104 : memref<80xi32, #tpu.memory_space<vmem>>) semaphore(%arg12 : memref<!tpu.dma_semaphore, #tpu.memory_space<semaphore_mem>>)
    }
    %scan3A_33 = arith.constant 10 : i32
    %scan3A_34 = arith.constant 0 : i32
    %scan3A_35 = arith.constant 0 : i32
    %scan3A_36 = arith.constant 8 : i32
    %scan3A_37 = arith.addi %scan3A_35, %scan3A_36 : i32
    %scan3A_38 = arith.constant 1 : i32
    scf.for %scan3A_92 = %scan3A_35 to %scan3A_37 step %scan3A_38  : i32 {
      %rem3A_93 = arith.constant 2 : i32
      %rem3A_94 = arith.remsi %scan3A_92, %rem3A_93 : i32
      %add3A_95 = arith.constant 1 : i32
      %add3A_96 = arith.addi %scan3A_92, %add3A_95 : i32
      %lt3A = arith.constant 8 : i32
      %lt3A_97 = arith.cmpi slt, %add3A_96, %lt3A : i32
      %convert_element_type3A = arith.extui %lt3A_97 : i1 to i32
      %cond3A = arith.constant 0 : i32
      %cond3A_98 = arith.cmpi ne, %convert_element_type3A, %cond3A : i32
      scf.if %cond3A_98 {
        %dma_wait3A_143 = arith.constant 0 : i32
        %dma_wait3A_144 = tpu.memref_slice %arg8[%dma_wait3A_143] : memref<6400xi32, #tpu.memory_space<vmem>> -> memref<800xi32, #tpu.memory_space<vmem>>
        %dma_wait3A_145 = arith.constant 0 : i32
        %dma_wait3A_146 = tpu.memref_slice %arg3[%dma_wait3A_145] : memref<1000000xi32, #tpu.memory_space<hbm>> -> memref<800xi32, #tpu.memory_space<hbm>>
        %dma_wait3A_147 = arith.constant 0 : i32
        %dma_wait3A_148 = tpu.memref_slice %arg8[%dma_wait3A_147] : memref<6400xi32, #tpu.memory_space<vmem>> -> memref<800xi32, #tpu.memory_space<vmem>>
        %dma_wait3A_149 = arith.constant 0 : i32
        %dma_wait3A_150 = tpu.memref_slice %arg3[%dma_wait3A_149] : memref<1000000xi32, #tpu.memory_space<hbm>> -> memref<800xi32, #tpu.memory_space<hbm>>
        tpu.wait_dma2 semaphore(%arg11 : memref<!tpu.dma_semaphore, #tpu.memory_space<semaphore_mem>>) src(%dma_wait3A_150 : memref<800xi32, #tpu.memory_space<hbm>>) dst(%dma_wait3A_148 : memref<800xi32, #tpu.memory_space<vmem>>)
        %add3A_151 = arith.constant 2 : i32
        %add3A_152 = arith.addi %scan3A_92, %add3A_151 : i32
        %lt3A_153 = arith.constant 8 : i32
        %lt3A_154 = arith.cmpi slt, %add3A_152, %lt3A_153 : i32
        %convert_element_type3A_155 = arith.extui %lt3A_154 : i1 to i32
        %cond3A_156 = arith.constant 0 : i32
        %cond3A_157 = arith.cmpi ne, %convert_element_type3A_155, %cond3A_156 : i32
        scf.if %cond3A_157 {
          %add3A_168 = arith.constant 2 : i32
          %add3A_169 = arith.addi %scan3A_92, %add3A_168 : i32
          %mul3A_170 = arith.constant 10 : i32
          %mul3A_171 = arith.muli %add3A_169, %mul3A_170 : i32
          %add3A_172 = arith.constant 1 : i32
          %add3A_173 = arith.addi %add3A_169, %add3A_172 : i32
          %mul3A_174 = arith.constant 10 : i32
          %mul3A_175 = arith.muli %add3A_173, %mul3A_174 : i32
          %while3A = arith.constant 0 : i32
          %while3A_176 = arith.subi %mul3A_175, %mul3A_171 : i32
          %while3A_177 = arith.addi %mul3A_171, %while3A_176 : i32
          %while3A_178 = arith.constant 1 : i32
          %while3A_179 = arith.divsi %while3A_176, %while3A_178 : i32
          %while3A_180 = arith.muli %while3A_179, %while3A_178 : i32
          %while3A_181 = arith.addi %mul3A_171, %while3A_180 : i32
          %while3A_182 = arith.constant 1 : i32
          scf.for %while3A_184 = %mul3A_171 to %while3A_181 step %while3A_182  : i32 {
            %mul3A_185 = arith.constant 80 : i32
            %mul3A_186 = arith.muli %while3A_184, %mul3A_185 : i32
            %mul3A_187 = arith.constant 80 : i32
            %mul3A_188 = arith.muli %while3A_184, %mul3A_187 : i32
            %dma_start3A_189 = tpu.memref_slice %arg8[%mul3A_188] : memref<6400xi32, #tpu.memory_space<vmem>> -> memref<80xi32, #tpu.memory_space<vmem>>
            %dma_start3A_190 = tpu.memref_slice %arg7[%mul3A_186] : memref<6400xi32, #tpu.memory_space<vmem>> -> memref<80xi32, #tpu.memory_space<vmem>>
            %dma_start3A_191 = arith.constant 0 : i32
            %dma_start3A_192 = tpu.memref_slice %arg3[%dma_start3A_191] : memref<1000000xi32, #tpu.memory_space<hbm>> -> memref<1000000xi32, #tpu.memory_space<hbm>>
            tpu.enqueue_indirect_dma source(%dma_start3A_192 : memref<1000000xi32, #tpu.memory_space<hbm>>) target(%dma_start3A_189 : memref<80xi32, #tpu.memory_space<vmem>>) offsets(%dma_start3A_190 : memref<80xi32, #tpu.memory_space<vmem>>) semaphore(%arg11 : memref<!tpu.dma_semaphore, #tpu.memory_space<semaphore_mem>>)
          }
          %while3A_183 = arith.constant 1 : i32
          scf.for %while3A_184 = %while3A_181 to %while3A_177 step %while3A_183  : i32 {
            %mul3A_185 = arith.constant 80 : i32
            %mul3A_186 = arith.muli %while3A_184, %mul3A_185 : i32
            %mul3A_187 = arith.constant 80 : i32
            %mul3A_188 = arith.muli %while3A_184, %mul3A_187 : i32
            %dma_start3A_189 = tpu.memref_slice %arg8[%mul3A_188] : memref<6400xi32, #tpu.memory_space<vmem>> -> memref<80xi32, #tpu.memory_space<vmem>>
            %dma_start3A_190 = tpu.memref_slice %arg7[%mul3A_186] : memref<6400xi32, #tpu.memory_space<vmem>> -> memref<80xi32, #tpu.memory_space<vmem>>
            %dma_start3A_191 = arith.constant 0 : i32
            %dma_start3A_192 = tpu.memref_slice %arg3[%dma_start3A_191] : memref<1000000xi32, #tpu.memory_space<hbm>> -> memref<1000000xi32, #tpu.memory_space<hbm>>
            tpu.enqueue_indirect_dma source(%dma_start3A_192 : memref<1000000xi32, #tpu.memory_space<hbm>>) target(%dma_start3A_189 : memref<80xi32, #tpu.memory_space<vmem>>) offsets(%dma_start3A_190 : memref<80xi32, #tpu.memory_space<vmem>>) semaphore(%arg11 : memref<!tpu.dma_semaphore, #tpu.memory_space<semaphore_mem>>)
          }
        } else {
        }
        %add3A_158 = arith.constant 1 : i32
        %add3A_159 = arith.addi %scan3A_92, %add3A_158 : i32
        %rem3A_160 = arith.constant 2 : i32
        %rem3A_161 = arith.remsi %add3A_159, %rem3A_160 : i32
        %scan3A_162 = arith.constant 0 : i32
        %scan3A_163 = arith.constant 0 : i32
        %scan3A_164 = arith.constant 10 : i32
        %scan3A_165 = arith.addi %scan3A_163, %scan3A_164 : i32
        %scan3A_166 = arith.constant 1 : i32
        scf.for %scan3A_168 = %scan3A_163 to %scan3A_165 step %scan3A_166  : i32 {
          %mul3A_169 = arith.constant 10 : i32
          %mul3A_170 = arith.muli %add3A_159, %mul3A_169 : i32
          %add3A_171 = arith.addi %mul3A_170, %scan3A_168 : i32
          %mul3A_172 = arith.constant 80 : i32
          %mul3A_173 = arith.muli %add3A_171, %mul3A_172 : i32
          %mul3A_174 = arith.constant 80 : i32
          %mul3A_175 = arith.muli %scan3A_168, %mul3A_174 : i32
          %dma_start3A_176 = arith.constant 0 : i32
          %dma_start3A_177 = arith.constant 0 : i32
          %dma_start3A_178 = tpu.memref_slice %arg9[%rem3A_161, %dma_start3A_176, %dma_start3A_177] : memref<2x800x32xf32, #tpu.memory_space<vmem>> -> memref<1x800x32xf32, #tpu.memory_space<vmem>>
          %dma_start3A_179 = tpu.memref_squeeze %dma_start3A_178 : memref<1x800x32xf32, #tpu.memory_space<vmem>> -> memref<800x32xf32, #tpu.memory_space<vmem>>
          %dma_start3A_180 = arith.constant 0 : i32
          %dma_start3A_181 = tpu.memref_slice %dma_start3A_179[%mul3A_175, %dma_start3A_180] : memref<800x32xf32, #tpu.memory_space<vmem>> -> memref<80x32xf32, #tpu.memory_space<vmem>>
          %dma_start3A_182 = tpu.memref_slice %arg8[%mul3A_173] : memref<6400xi32, #tpu.memory_space<vmem>> -> memref<80xi32, #tpu.memory_space<vmem>>
          %dma_start3A_183 = arith.constant 0 : i32
          %dma_start3A_184 = arith.constant 0 : i32
          %dma_start3A_185 = tpu.memref_slice %arg4[%dma_start3A_183, %dma_start3A_184] : memref<100000x32xf32, #tpu.memory_space<hbm>> -> memref<100000x32xf32, #tpu.memory_space<hbm>>
          tpu.enqueue_indirect_dma source(%dma_start3A_185 : memref<100000x32xf32, #tpu.memory_space<hbm>>) target(%dma_start3A_181 : memref<80x32xf32, #tpu.memory_space<vmem>>) offsets(%dma_start3A_182 : memref<80xi32, #tpu.memory_space<vmem>>) semaphore(%arg12 : memref<!tpu.dma_semaphore, #tpu.memory_space<semaphore_mem>>)
        }
        %scan3A_167 = arith.constant 10 : i32
      } else {
      }
      %dma_wait3A_99 = arith.constant 0 : i32
      %dma_wait3A_100 = arith.constant 0 : i32
      %dma_wait3A_101 = tpu.memref_slice %arg9[%rem3A_94, %dma_wait3A_99, %dma_wait3A_100] : memref<2x800x32xf32, #tpu.memory_space<vmem>> -> memref<1x800x32xf32, #tpu.memory_space<vmem>>
      %dma_wait3A_102 = tpu.memref_squeeze %dma_wait3A_101 : memref<1x800x32xf32, #tpu.memory_space<vmem>> -> memref<800x32xf32, #tpu.memory_space<vmem>>
      %dma_wait3A_103 = arith.constant 0 : i32
      %dma_wait3A_104 = arith.constant 0 : i32
      %dma_wait3A_105 = tpu.memref_slice %arg4[%dma_wait3A_103, %dma_wait3A_104] : memref<100000x32xf32, #tpu.memory_space<hbm>> -> memref<800x32xf32, #tpu.memory_space<hbm>>
      %dma_wait3A_106 = arith.constant 0 : i32
      %dma_wait3A_107 = arith.constant 0 : i32
      %dma_wait3A_108 = tpu.memref_slice %arg9[%rem3A_94, %dma_wait3A_106, %dma_wait3A_107] : memref<2x800x32xf32, #tpu.memory_space<vmem>> -> memref<1x800x32xf32, #tpu.memory_space<vmem>>
      %dma_wait3A_109 = tpu.memref_squeeze %dma_wait3A_108 : memref<1x800x32xf32, #tpu.memory_space<vmem>> -> memref<800x32xf32, #tpu.memory_space<vmem>>
      %dma_wait3A_110 = arith.constant 0 : i32
      %dma_wait3A_111 = arith.constant 0 : i32
      %dma_wait3A_112 = tpu.memref_slice %arg4[%dma_wait3A_110, %dma_wait3A_111] : memref<100000x32xf32, #tpu.memory_space<hbm>> -> memref<800x32xf32, #tpu.memory_space<hbm>>
      tpu.wait_dma2 semaphore(%arg12 : memref<!tpu.dma_semaphore, #tpu.memory_space<semaphore_mem>>) src(%dma_wait3A_112 : memref<800x32xf32, #tpu.memory_space<hbm>>) dst(%dma_wait3A_109 : memref<800x32xf32, #tpu.memory_space<vmem>>)
      %ge3A = arith.constant 2 : i32
      %ge3A_113 = arith.cmpi sge, %scan3A_92, %ge3A : i32
      %convert_element_type3A_114 = arith.extui %ge3A_113 : i1 to i32
      %cond3A_115 = arith.constant 0 : i32
      %cond3A_116 = arith.cmpi ne, %convert_element_type3A_114, %cond3A_115 : i32
      scf.if %cond3A_116 {
        %dma_wait3A_143 = arith.constant 0 : i32
        %dma_wait3A_144 = arith.constant 0 : i32
        %dma_wait3A_145 = arith.constant 0 : i32
        %dma_wait3A_146 = arith.constant 0 : i32
        %dma_wait3A_147 = arith.constant 0 : i32
        %dma_wait3A_148 = tpu.memref_slice %arg10[%rem3A_94, %dma_wait3A_144, %dma_wait3A_145, %dma_wait3A_146, %dma_wait3A_147] : memref<2x50x4x8x16xf32, #tpu.memory_space<vmem>> -> memref<1x50x4x8x16xf32, #tpu.memory_space<vmem>>
        %dma_wait3A_149 = tpu.memref_squeeze %dma_wait3A_148 : memref<1x50x4x8x16xf32, #tpu.memory_space<vmem>> -> memref<50x4x8x16xf32, #tpu.memory_space<vmem>>
        %dma_wait3A_150 = arith.constant 0 : i32
        %dma_wait3A_151 = arith.constant 0 : i32
        %dma_wait3A_152 = arith.constant 0 : i32
        %dma_wait3A_153 = arith.constant 0 : i32
        %dma_wait3A_154 = tpu.memref_slice %arg5[%dma_wait3A_150, %dma_wait3A_151, %dma_wait3A_143, %dma_wait3A_152, %dma_wait3A_153] : memref<50x4x32x8x128xf32, #tpu.memory_space<hbm>> -> memref<50x4x1x8x16xf32, #tpu.memory_space<hbm>>
        %dma_wait3A_155 = tpu.memref_squeeze %dma_wait3A_154 : memref<50x4x1x8x16xf32, #tpu.memory_space<hbm>> -> memref<50x4x8x16xf32, #tpu.memory_space<hbm>>
        %dma_wait3A_156 = arith.constant 0 : i32
        %dma_wait3A_157 = arith.constant 0 : i32
        %dma_wait3A_158 = arith.constant 0 : i32
        %dma_wait3A_159 = arith.constant 0 : i32
        %dma_wait3A_160 = tpu.memref_slice %arg10[%rem3A_94, %dma_wait3A_156, %dma_wait3A_157, %dma_wait3A_158, %dma_wait3A_159] : memref<2x50x4x8x16xf32, #tpu.memory_space<vmem>> -> memref<1x50x4x8x16xf32, #tpu.memory_space<vmem>>
        %dma_wait3A_161 = tpu.memref_squeeze %dma_wait3A_160 : memref<1x50x4x8x16xf32, #tpu.memory_space<vmem>> -> memref<50x4x8x16xf32, #tpu.memory_space<vmem>>
        %dma_wait3A_162 = arith.constant 0 : i32
        %dma_wait3A_163 = arith.constant 0 : i32
        %dma_wait3A_164 = arith.constant 0 : i32
        %dma_wait3A_165 = arith.constant 0 : i32
        %dma_wait3A_166 = tpu.memref_slice %arg5[%dma_wait3A_162, %dma_wait3A_163, %dma_wait3A_143, %dma_wait3A_164, %dma_wait3A_165] : memref<50x4x32x8x128xf32, #tpu.memory_space<hbm>> -> memref<50x4x1x8x16xf32, #tpu.memory_space<hbm>>
        %dma_wait3A_167 = tpu.memref_squeeze %dma_wait3A_166 : memref<50x4x1x8x16xf32, #tpu.memory_space<hbm>> -> memref<50x4x8x16xf32, #tpu.memory_space<hbm>>
        tpu.wait_dma2 semaphore(%arg13 : memref<!tpu.dma_semaphore, #tpu.memory_space<semaphore_mem>>) src(%dma_wait3A_167 : memref<50x4x8x16xf32, #tpu.memory_space<hbm>>) dst(%dma_wait3A_161 : memref<50x4x8x16xf32, #tpu.memory_space<vmem>>)
      } else {
      }
      %parallel_loop3A_117 = arith.constant 0 : i32
      %parallel_loop3A_118 = arith.constant 50 : i32
      %parallel_loop3A_119 = arith.constant 1 : i32
      scf.for %parallel_loop3A_143 = %parallel_loop3A_117 to %parallel_loop3A_118 step %parallel_loop3A_119  : i32 {
        %parallel_loop3A_144 = vector.broadcast %parallel_loop3A_143 : i32 to vector<16xi32>
        %parallel_loop3A_145 = arith.addi %mul3A_25, %parallel_loop3A_144 : vector<16xi32>
        %parallel_loop3A_146 = arith.constant 0 : i32
        %parallel_loop3A_147 = vector.broadcast %parallel_loop3A_146 : i32 to vector<16xi32>
        %parallel_loop3A_148 = arith.constant 0 : i32
        %parallel_loop3A_149 = arith.constant 0 : i32
        %parallel_loop3A_150 = tpu.memref_slice %arg9[%rem3A_94, %parallel_loop3A_148, %parallel_loop3A_149] : memref<2x800x32xf32, #tpu.memory_space<vmem>> -> memref<1x800x32xf32, #tpu.memory_space<vmem>>
        %parallel_loop3A_151 = tpu.memref_squeeze %parallel_loop3A_150 : memref<1x800x32xf32, #tpu.memory_space<vmem>> -> memref<800x32xf32, #tpu.memory_space<vmem>>
        %parallel_loop3A_152 = tpu.vector_load_idx %parallel_loop3A_151[%parallel_loop3A_145, %parallel_loop3A_147] : memref<800x32xf32, #tpu.memory_space<vmem>>[vector<16xi32>, vector<16xi32>], vector<16xf32>,
        %parallel_loop3A_153 = arith.constant 0 : i32
        %parallel_loop3A_154 = arith.constant 0 : i32
        %parallel_loop3A_155 = arith.index_cast %rem3A_94 : i32 to index
        %parallel_loop3A_156 = arith.index_cast %parallel_loop3A_143 : i32 to index
        %parallel_loop3A_157 = arith.index_cast %parallel_loop3A_153 : i32 to index
        %parallel_loop3A_158 = arith.index_cast %parallel_loop3A_154 : i32 to index
        %parallel_loop3A_159 = arith.constant 0 : index
        %parallel_loop3A_160 = tpu.vector_load %arg10[%parallel_loop3A_155, %parallel_loop3A_156, %parallel_loop3A_157, %parallel_loop3A_158, %parallel_loop3A_159] {strides = array<i32>} : memref<2x50x4x8x16xf32, #tpu.memory_space<vmem>>, vector<16xf32>,
        tpu.vector_store %arg10[%parallel_loop3A_155, %parallel_loop3A_156, %parallel_loop3A_157, %parallel_loop3A_158, %parallel_loop3A_159], %parallel_loop3A_152 {strides = array<i32>} : memref<2x50x4x8x16xf32, #tpu.memory_space<vmem>>, vector<16xf32>,
        %parallel_loop3A_161 = arith.constant 1 : i32
        %parallel_loop3A_162 = vector.broadcast %parallel_loop3A_161 : i32 to vector<16xi32>
        %parallel_loop3A_163 = arith.constant 0 : i32
        %parallel_loop3A_164 = arith.constant 0 : i32
        %parallel_loop3A_165 = tpu.memref_slice %arg9[%rem3A_94, %parallel_loop3A_163, %parallel_loop3A_164] : memref<2x800x32xf32, #tpu.memory_space<vmem>> -> memref<1x800x32xf32, #tpu.memory_space<vmem>>
        %parallel_loop3A_166 = tpu.memref_squeeze %parallel_loop3A_165 : memref<1x800x32xf32, #tpu.memory_space<vmem>> -> memref<800x32xf32, #tpu.memory_space<vmem>>
        %parallel_loop3A_167 = tpu.vector_load_idx %parallel_loop3A_166[%parallel_loop3A_145, %parallel_loop3A_162] : memref<800x32xf32, #tpu.memory_space<vmem>>[vector<16xi32>, vector<16xi32>], vector<16xf32>,
        %parallel_loop3A_168 = arith.constant 0 : i32
        %parallel_loop3A_169 = arith.constant 1 : i32
        %parallel_loop3A_170 = arith.index_cast %rem3A_94 : i32 to index
        %parallel_loop3A_171 = arith.index_cast %parallel_loop3A_143 : i32 to index
        %parallel_loop3A_172 = arith.index_cast %parallel_loop3A_168 : i32 to index
        %parallel_loop3A_173 = arith.index_cast %parallel_loop3A_169 : i32 to index
        %parallel_loop3A_174 = arith.constant 0 : index
        %parallel_loop3A_175 = tpu.vector_load %arg10[%parallel_loop3A_170, %parallel_loop3A_171, %parallel_loop3A_172, %parallel_loop3A_173, %parallel_loop3A_174] {strides = array<i32>} : memref<2x50x4x8x16xf32, #tpu.memory_space<vmem>>, vector<16xf32>,
        tpu.vector_store %arg10[%parallel_loop3A_170, %parallel_loop3A_171, %parallel_loop3A_172, %parallel_loop3A_173, %parallel_loop3A_174], %parallel_loop3A_167 {strides = array<i32>} : memref<2x50x4x8x16xf32, #tpu.memory_space<vmem>>, vector<16xf32>,
        %parallel_loop3A_176 = arith.constant 2 : i32
        %parallel_loop3A_177 = vector.broadcast %parallel_loop3A_176 : i32 to vector<16xi32>
        %parallel_loop3A_178 = arith.constant 0 : i32
        %parallel_loop3A_179 = arith.constant 0 : i32
        %parallel_loop3A_180 = tpu.memref_slice %arg9[%rem3A_94, %parallel_loop3A_178, %parallel_loop3A_179] : memref<2x800x32xf32, #tpu.memory_space<vmem>> -> memref<1x800x32xf32, #tpu.memory_space<vmem>>
        %parallel_loop3A_181 = tpu.memref_squeeze %parallel_loop3A_180 : memref<1x800x32xf32, #tpu.memory_space<vmem>> -> memref<800x32xf32, #tpu.memory_space<vmem>>
        %parallel_loop3A_182 = tpu.vector_load_idx %parallel_loop3A_181[%parallel_loop3A_145, %parallel_loop3A_177] : memref<800x32xf32, #tpu.memory_space<vmem>>[vector<16xi32>, vector<16xi32>], vector<16xf32>,
        %parallel_loop3A_183 = arith.constant 0 : i32
        %parallel_loop3A_184 = arith.constant 2 : i32
        %parallel_loop3A_185 = arith.index_cast %rem3A_94 : i32 to index
        %parallel_loop3A_186 = arith.index_cast %parallel_loop3A_143 : i32 to index
        %parallel_loop3A_187 = arith.index_cast %parallel_loop3A_183 : i32 to index
        %parallel_loop3A_188 = arith.index_cast %parallel_loop3A_184 : i32 to index
        %parallel_loop3A_189 = arith.constant 0 : index
        %parallel_loop3A_190 = tpu.vector_load %arg10[%parallel_loop3A_185, %parallel_loop3A_186, %parallel_loop3A_187, %parallel_loop3A_188, %parallel_loop3A_189] {strides = array<i32>} : memref<2x50x4x8x16xf32, #tpu.memory_space<vmem>>, vector<16xf32>,
        tpu.vector_store %arg10[%parallel_loop3A_185, %parallel_loop3A_186, %parallel_loop3A_187, %parallel_loop3A_188, %parallel_loop3A_189], %parallel_loop3A_182 {strides = array<i32>} : memref<2x50x4x8x16xf32, #tpu.memory_space<vmem>>, vector<16xf32>,
        %parallel_loop3A_191 = arith.constant 3 : i32
        %parallel_loop3A_192 = vector.broadcast %parallel_loop3A_191 : i32 to vector<16xi32>
        %parallel_loop3A_193 = arith.constant 0 : i32
        %parallel_loop3A_194 = arith.constant 0 : i32
        %parallel_loop3A_195 = tpu.memref_slice %arg9[%rem3A_94, %parallel_loop3A_193, %parallel_loop3A_194] : memref<2x800x32xf32, #tpu.memory_space<vmem>> -> memref<1x800x32xf32, #tpu.memory_space<vmem>>
        %parallel_loop3A_196 = tpu.memref_squeeze %parallel_loop3A_195 : memref<1x800x32xf32, #tpu.memory_space<vmem>> -> memref<800x32xf32, #tpu.memory_space<vmem>>
        %parallel_loop3A_197 = tpu.vector_load_idx %parallel_loop3A_196[%parallel_loop3A_145, %parallel_loop3A_192] : memref<800x32xf32, #tpu.memory_space<vmem>>[vector<16xi32>, vector<16xi32>], vector<16xf32>,
        %parallel_loop3A_198 = arith.constant 0 : i32
        %parallel_loop3A_199 = arith.constant 3 : i32
        %parallel_loop3A_200 = arith.index_cast %rem3A_94 : i32 to index
        %parallel_loop3A_201 = arith.index_cast %parallel_loop3A_143 : i32 to index
        %parallel_loop3A_202 = arith.index_cast %parallel_loop3A_198 : i32 to index
        %parallel_loop3A_203 = arith.index_cast %parallel_loop3A_199 : i32 to index
        %parallel_loop3A_204 = arith.constant 0 : index
        %parallel_loop3A_205 = tpu.vector_load %arg10[%parallel_loop3A_200, %parallel_loop3A_201, %parallel_loop3A_202, %parallel_loop3A_203, %parallel_loop3A_204] {strides = array<i32>} : memref<2x50x4x8x16xf32, #tpu.memory_space<vmem>>, vector<16xf32>,
        tpu.vector_store %arg10[%parallel_loop3A_200, %parallel_loop3A_201, %parallel_loop3A_202, %parallel_loop3A_203, %parallel_loop3A_204], %parallel_loop3A_197 {strides = array<i32>} : memref<2x50x4x8x16xf32, #tpu.memory_space<vmem>>, vector<16xf32>,
        %parallel_loop3A_206 = arith.constant 4 : i32
        %parallel_loop3A_207 = vector.broadcast %parallel_loop3A_206 : i32 to vector<16xi32>
        %parallel_loop3A_208 = arith.constant 0 : i32
        %parallel_loop3A_209 = arith.constant 0 : i32
        %parallel_loop3A_210 = tpu.memref_slice %arg9[%rem3A_94, %parallel_loop3A_208, %parallel_loop3A_209] : memref<2x800x32xf32, #tpu.memory_space<vmem>> -> memref<1x800x32xf32, #tpu.memory_space<vmem>>
        %parallel_loop3A_211 = tpu.memref_squeeze %parallel_loop3A_210 : memref<1x800x32xf32, #tpu.memory_space<vmem>> -> memref<800x32xf32, #tpu.memory_space<vmem>>
        %parallel_loop3A_212 = tpu.vector_load_idx %parallel_loop3A_211[%parallel_loop3A_145, %parallel_loop3A_207] : memref<800x32xf32, #tpu.memory_space<vmem>>[vector<16xi32>, vector<16xi32>], vector<16xf32>,
        %parallel_loop3A_213 = arith.constant 0 : i32
        %parallel_loop3A_214 = arith.constant 4 : i32
        %parallel_loop3A_215 = arith.index_cast %rem3A_94 : i32 to index
        %parallel_loop3A_216 = arith.index_cast %parallel_loop3A_143 : i32 to index
        %parallel_loop3A_217 = arith.index_cast %parallel_loop3A_213 : i32 to index
        %parallel_loop3A_218 = arith.index_cast %parallel_loop3A_214 : i32 to index
        %parallel_loop3A_219 = arith.constant 0 : index
        %parallel_loop3A_220 = tpu.vector_load %arg10[%parallel_loop3A_215, %parallel_loop3A_216, %parallel_loop3A_217, %parallel_loop3A_218, %parallel_loop3A_219] {strides = array<i32>} : memref<2x50x4x8x16xf32, #tpu.memory_space<vmem>>, vector<16xf32>,
        tpu.vector_store %arg10[%parallel_loop3A_215, %parallel_loop3A_216, %parallel_loop3A_217, %parallel_loop3A_218, %parallel_loop3A_219], %parallel_loop3A_212 {strides = array<i32>} : memref<2x50x4x8x16xf32, #tpu.memory_space<vmem>>, vector<16xf32>,
        %parallel_loop3A_221 = arith.constant 5 : i32
        %parallel_loop3A_222 = vector.broadcast %parallel_loop3A_221 : i32 to vector<16xi32>
        %parallel_loop3A_223 = arith.constant 0 : i32
        %parallel_loop3A_224 = arith.constant 0 : i32
        %parallel_loop3A_225 = tpu.memref_slice %arg9[%rem3A_94, %parallel_loop3A_223, %parallel_loop3A_224] : memref<2x800x32xf32, #tpu.memory_space<vmem>> -> memref<1x800x32xf32, #tpu.memory_space<vmem>>
        %parallel_loop3A_226 = tpu.memref_squeeze %parallel_loop3A_225 : memref<1x800x32xf32, #tpu.memory_space<vmem>> -> memref<800x32xf32, #tpu.memory_space<vmem>>
        %parallel_loop3A_227 = tpu.vector_load_idx %parallel_loop3A_226[%parallel_loop3A_145, %parallel_loop3A_222] : memref<800x32xf32, #tpu.memory_space<vmem>>[vector<16xi32>, vector<16xi32>], vector<16xf32>,
        %parallel_loop3A_228 = arith.constant 0 : i32
        %parallel_loop3A_229 = arith.constant 5 : i32
        %parallel_loop3A_230 = arith.index_cast %rem3A_94 : i32 to index
        %parallel_loop3A_231 = arith.index_cast %parallel_loop3A_143 : i32 to index
        %parallel_loop3A_232 = arith.index_cast %parallel_loop3A_228 : i32 to index
        %parallel_loop3A_233 = arith.index_cast %parallel_loop3A_229 : i32 to index
        %parallel_loop3A_234 = arith.constant 0 : index
        %parallel_loop3A_235 = tpu.vector_load %arg10[%parallel_loop3A_230, %parallel_loop3A_231, %parallel_loop3A_232, %parallel_loop3A_233, %parallel_loop3A_234] {strides = array<i32>} : memref<2x50x4x8x16xf32, #tpu.memory_space<vmem>>, vector<16xf32>,
        tpu.vector_store %arg10[%parallel_loop3A_230, %parallel_loop3A_231, %parallel_loop3A_232, %parallel_loop3A_233, %parallel_loop3A_234], %parallel_loop3A_227 {strides = array<i32>} : memref<2x50x4x8x16xf32, #tpu.memory_space<vmem>>, vector<16xf32>,
        %parallel_loop3A_236 = arith.constant 6 : i32
        %parallel_loop3A_237 = vector.broadcast %parallel_loop3A_236 : i32 to vector<16xi32>
        %parallel_loop3A_238 = arith.constant 0 : i32
        %parallel_loop3A_239 = arith.constant 0 : i32
        %parallel_loop3A_240 = tpu.memref_slice %arg9[%rem3A_94, %parallel_loop3A_238, %parallel_loop3A_239] : memref<2x800x32xf32, #tpu.memory_space<vmem>> -> memref<1x800x32xf32, #tpu.memory_space<vmem>>
        %parallel_loop3A_241 = tpu.memref_squeeze %parallel_loop3A_240 : memref<1x800x32xf32, #tpu.memory_space<vmem>> -> memref<800x32xf32, #tpu.memory_space<vmem>>
        %parallel_loop3A_242 = tpu.vector_load_idx %parallel_loop3A_241[%parallel_loop3A_145, %parallel_loop3A_237] : memref<800x32xf32, #tpu.memory_space<vmem>>[vector<16xi32>, vector<16xi32>], vector<16xf32>,
        %parallel_loop3A_243 = arith.constant 0 : i32
        %parallel_loop3A_244 = arith.constant 6 : i32
        %parallel_loop3A_245 = arith.index_cast %rem3A_94 : i32 to index
        %parallel_loop3A_246 = arith.index_cast %parallel_loop3A_143 : i32 to index
        %parallel_loop3A_247 = arith.index_cast %parallel_loop3A_243 : i32 to index
        %parallel_loop3A_248 = arith.index_cast %parallel_loop3A_244 : i32 to index
        %parallel_loop3A_249 = arith.constant 0 : index
        %parallel_loop3A_250 = tpu.vector_load %arg10[%parallel_loop3A_245, %parallel_loop3A_246, %parallel_loop3A_247, %parallel_loop3A_248, %parallel_loop3A_249] {strides = array<i32>} : memref<2x50x4x8x16xf32, #tpu.memory_space<vmem>>, vector<16xf32>,
        tpu.vector_store %arg10[%parallel_loop3A_245, %parallel_loop3A_246, %parallel_loop3A_247, %parallel_loop3A_248, %parallel_loop3A_249], %parallel_loop3A_242 {strides = array<i32>} : memref<2x50x4x8x16xf32, #tpu.memory_space<vmem>>, vector<16xf32>,
        %parallel_loop3A_251 = arith.constant 7 : i32
        %parallel_loop3A_252 = vector.broadcast %parallel_loop3A_251 : i32 to vector<16xi32>
        %parallel_loop3A_253 = arith.constant 0 : i32
        %parallel_loop3A_254 = arith.constant 0 : i32
        %parallel_loop3A_255 = tpu.memref_slice %arg9[%rem3A_94, %parallel_loop3A_253, %parallel_loop3A_254] : memref<2x800x32xf32, #tpu.memory_space<vmem>> -> memref<1x800x32xf32, #tpu.memory_space<vmem>>
        %parallel_loop3A_256 = tpu.memref_squeeze %parallel_loop3A_255 : memref<1x800x32xf32, #tpu.memory_space<vmem>> -> memref<800x32xf32, #tpu.memory_space<vmem>>
        %parallel_loop3A_257 = tpu.vector_load_idx %parallel_loop3A_256[%parallel_loop3A_145, %parallel_loop3A_252] : memref<800x32xf32, #tpu.memory_space<vmem>>[vector<16xi32>, vector<16xi32>], vector<16xf32>,
        %parallel_loop3A_258 = arith.constant 0 : i32
        %parallel_loop3A_259 = arith.constant 7 : i32
        %parallel_loop3A_260 = arith.index_cast %rem3A_94 : i32 to index
        %parallel_loop3A_261 = arith.index_cast %parallel_loop3A_143 : i32 to index
        %parallel_loop3A_262 = arith.index_cast %parallel_loop3A_258 : i32 to index
        %parallel_loop3A_263 = arith.index_cast %parallel_loop3A_259 : i32 to index
        %parallel_loop3A_264 = arith.constant 0 : index
        %parallel_loop3A_265 = tpu.vector_load %arg10[%parallel_loop3A_260, %parallel_loop3A_261, %parallel_loop3A_262, %parallel_loop3A_263, %parallel_loop3A_264] {strides = array<i32>} : memref<2x50x4x8x16xf32, #tpu.memory_space<vmem>>, vector<16xf32>,
        tpu.vector_store %arg10[%parallel_loop3A_260, %parallel_loop3A_261, %parallel_loop3A_262, %parallel_loop3A_263, %parallel_loop3A_264], %parallel_loop3A_257 {strides = array<i32>} : memref<2x50x4x8x16xf32, #tpu.memory_space<vmem>>, vector<16xf32>,
        %parallel_loop3A_266 = arith.constant 8 : i32
        %parallel_loop3A_267 = vector.broadcast %parallel_loop3A_266 : i32 to vector<16xi32>
        %parallel_loop3A_268 = arith.constant 0 : i32
        %parallel_loop3A_269 = arith.constant 0 : i32
        %parallel_loop3A_270 = tpu.memref_slice %arg9[%rem3A_94, %parallel_loop3A_268, %parallel_loop3A_269] : memref<2x800x32xf32, #tpu.memory_space<vmem>> -> memref<1x800x32xf32, #tpu.memory_space<vmem>>
        %parallel_loop3A_271 = tpu.memref_squeeze %parallel_loop3A_270 : memref<1x800x32xf32, #tpu.memory_space<vmem>> -> memref<800x32xf32, #tpu.memory_space<vmem>>
        %parallel_loop3A_272 = tpu.vector_load_idx %parallel_loop3A_271[%parallel_loop3A_145, %parallel_loop3A_267] : memref<800x32xf32, #tpu.memory_space<vmem>>[vector<16xi32>, vector<16xi32>], vector<16xf32>,
        %parallel_loop3A_273 = arith.constant 1 : i32
        %parallel_loop3A_274 = arith.constant 0 : i32
        %parallel_loop3A_275 = arith.index_cast %rem3A_94 : i32 to index
        %parallel_loop3A_276 = arith.index_cast %parallel_loop3A_143 : i32 to index
        %parallel_loop3A_277 = arith.index_cast %parallel_loop3A_273 : i32 to index
        %parallel_loop3A_278 = arith.index_cast %parallel_loop3A_274 : i32 to index
        %parallel_loop3A_279 = arith.constant 0 : index
        %parallel_loop3A_280 = tpu.vector_load %arg10[%parallel_loop3A_275, %parallel_loop3A_276, %parallel_loop3A_277, %parallel_loop3A_278, %parallel_loop3A_279] {strides = array<i32>} : memref<2x50x4x8x16xf32, #tpu.memory_space<vmem>>, vector<16xf32>,
        tpu.vector_store %arg10[%parallel_loop3A_275, %parallel_loop3A_276, %parallel_loop3A_277, %parallel_loop3A_278, %parallel_loop3A_279], %parallel_loop3A_272 {strides = array<i32>} : memref<2x50x4x8x16xf32, #tpu.memory_space<vmem>>, vector<16xf32>,
        %parallel_loop3A_281 = arith.constant 9 : i32
        %parallel_loop3A_282 = vector.broadcast %parallel_loop3A_281 : i32 to vector<16xi32>
        %parallel_loop3A_283 = arith.constant 0 : i32
        %parallel_loop3A_284 = arith.constant 0 : i32
        %parallel_loop3A_285 = tpu.memref_slice %arg9[%rem3A_94, %parallel_loop3A_283, %parallel_loop3A_284] : memref<2x800x32xf32, #tpu.memory_space<vmem>> -> memref<1x800x32xf32, #tpu.memory_space<vmem>>
        %parallel_loop3A_286 = tpu.memref_squeeze %parallel_loop3A_285 : memref<1x800x32xf32, #tpu.memory_space<vmem>> -> memref<800x32xf32, #tpu.memory_space<vmem>>
        %parallel_loop3A_287 = tpu.vector_load_idx %parallel_loop3A_286[%parallel_loop3A_145, %parallel_loop3A_282] : memref<800x32xf32, #tpu.memory_space<vmem>>[vector<16xi32>, vector<16xi32>], vector<16xf32>,
        %parallel_loop3A_288 = arith.constant 1 : i32
        %parallel_loop3A_289 = arith.constant 1 : i32
        %parallel_loop3A_290 = arith.index_cast %rem3A_94 : i32 to index
        %parallel_loop3A_291 = arith.index_cast %parallel_loop3A_143 : i32 to index
        %parallel_loop3A_292 = arith.index_cast %parallel_loop3A_288 : i32 to index
        %parallel_loop3A_293 = arith.index_cast %parallel_loop3A_289 : i32 to index
        %parallel_loop3A_294 = arith.constant 0 : index
        %parallel_loop3A_295 = tpu.vector_load %arg10[%parallel_loop3A_290, %parallel_loop3A_291, %parallel_loop3A_292, %parallel_loop3A_293, %parallel_loop3A_294] {strides = array<i32>} : memref<2x50x4x8x16xf32, #tpu.memory_space<vmem>>, vector<16xf32>,
        tpu.vector_store %arg10[%parallel_loop3A_290, %parallel_loop3A_291, %parallel_loop3A_292, %parallel_loop3A_293, %parallel_loop3A_294], %parallel_loop3A_287 {strides = array<i32>} : memref<2x50x4x8x16xf32, #tpu.memory_space<vmem>>, vector<16xf32>,
        %parallel_loop3A_296 = arith.constant 10 : i32
        %parallel_loop3A_297 = vector.broadcast %parallel_loop3A_296 : i32 to vector<16xi32>
        %parallel_loop3A_298 = arith.constant 0 : i32
        %parallel_loop3A_299 = arith.constant 0 : i32
        %parallel_loop3A_300 = tpu.memref_slice %arg9[%rem3A_94, %parallel_loop3A_298, %parallel_loop3A_299] : memref<2x800x32xf32, #tpu.memory_space<vmem>> -> memref<1x800x32xf32, #tpu.memory_space<vmem>>
        %parallel_loop3A_301 = tpu.memref_squeeze %parallel_loop3A_300 : memref<1x800x32xf32, #tpu.memory_space<vmem>> -> memref<800x32xf32, #tpu.memory_space<vmem>>
        %parallel_loop3A_302 = tpu.vector_load_idx %parallel_loop3A_301[%parallel_loop3A_145, %parallel_loop3A_297] : memref<800x32xf32, #tpu.memory_space<vmem>>[vector<16xi32>, vector<16xi32>], vector<16xf32>,
        %parallel_loop3A_303 = arith.constant 1 : i32
        %parallel_loop3A_304 = arith.constant 2 : i32
        %parallel_loop3A_305 = arith.index_cast %rem3A_94 : i32 to index
        %parallel_loop3A_306 = arith.index_cast %parallel_loop3A_143 : i32 to index
        %parallel_loop3A_307 = arith.index_cast %parallel_loop3A_303 : i32 to index
        %parallel_loop3A_308 = arith.index_cast %parallel_loop3A_304 : i32 to index
        %parallel_loop3A_309 = arith.constant 0 : index
        %parallel_loop3A_310 = tpu.vector_load %arg10[%parallel_loop3A_305, %parallel_loop3A_306, %parallel_loop3A_307, %parallel_loop3A_308, %parallel_loop3A_309] {strides = array<i32>} : memref<2x50x4x8x16xf32, #tpu.memory_space<vmem>>, vector<16xf32>,
        tpu.vector_store %arg10[%parallel_loop3A_305, %parallel_loop3A_306, %parallel_loop3A_307, %parallel_loop3A_308, %parallel_loop3A_309], %parallel_loop3A_302 {strides = array<i32>} : memref<2x50x4x8x16xf32, #tpu.memory_space<vmem>>, vector<16xf32>,
        %parallel_loop3A_311 = arith.constant 11 : i32
        %parallel_loop3A_312 = vector.broadcast %parallel_loop3A_311 : i32 to vector<16xi32>
        %parallel_loop3A_313 = arith.constant 0 : i32
        %parallel_loop3A_314 = arith.constant 0 : i32
        %parallel_loop3A_315 = tpu.memref_slice %arg9[%rem3A_94, %parallel_loop3A_313, %parallel_loop3A_314] : memref<2x800x32xf32, #tpu.memory_space<vmem>> -> memref<1x800x32xf32, #tpu.memory_space<vmem>>
        %parallel_loop3A_316 = tpu.memref_squeeze %parallel_loop3A_315 : memref<1x800x32xf32, #tpu.memory_space<vmem>> -> memref<800x32xf32, #tpu.memory_space<vmem>>
        %parallel_loop3A_317 = tpu.vector_load_idx %parallel_loop3A_316[%parallel_loop3A_145, %parallel_loop3A_312] : memref<800x32xf32, #tpu.memory_space<vmem>>[vector<16xi32>, vector<16xi32>], vector<16xf32>,
        %parallel_loop3A_318 = arith.constant 1 : i32
        %parallel_loop3A_319 = arith.constant 3 : i32
        %parallel_loop3A_320 = arith.index_cast %rem3A_94 : i32 to index
        %parallel_loop3A_321 = arith.index_cast %parallel_loop3A_143 : i32 to index
        %parallel_loop3A_322 = arith.index_cast %parallel_loop3A_318 : i32 to index
        %parallel_loop3A_323 = arith.index_cast %parallel_loop3A_319 : i32 to index
        %parallel_loop3A_324 = arith.constant 0 : index
        %parallel_loop3A_325 = tpu.vector_load %arg10[%parallel_loop3A_320, %parallel_loop3A_321, %parallel_loop3A_322, %parallel_loop3A_323, %parallel_loop3A_324] {strides = array<i32>} : memref<2x50x4x8x16xf32, #tpu.memory_space<vmem>>, vector<16xf32>,
        tpu.vector_store %arg10[%parallel_loop3A_320, %parallel_loop3A_321, %parallel_loop3A_322, %parallel_loop3A_323, %parallel_loop3A_324], %parallel_loop3A_317 {strides = array<i32>} : memref<2x50x4x8x16xf32, #tpu.memory_space<vmem>>, vector<16xf32>,
        %parallel_loop3A_326 = arith.constant 12 : i32
        %parallel_loop3A_327 = vector.broadcast %parallel_loop3A_326 : i32 to vector<16xi32>
        %parallel_loop3A_328 = arith.constant 0 : i32
        %parallel_loop3A_329 = arith.constant 0 : i32
        %parallel_loop3A_330 = tpu.memref_slice %arg9[%rem3A_94, %parallel_loop3A_328, %parallel_loop3A_329] : memref<2x800x32xf32, #tpu.memory_space<vmem>> -> memref<1x800x32xf32, #tpu.memory_space<vmem>>
        %parallel_loop3A_331 = tpu.memref_squeeze %parallel_loop3A_330 : memref<1x800x32xf32, #tpu.memory_space<vmem>> -> memref<800x32xf32, #tpu.memory_space<vmem>>
        %parallel_loop3A_332 = tpu.vector_load_idx %parallel_loop3A_331[%parallel_loop3A_145, %parallel_loop3A_327] : memref<800x32xf32, #tpu.memory_space<vmem>>[vector<16xi32>, vector<16xi32>], vector<16xf32>,
        %parallel_loop3A_333 = arith.constant 1 : i32
        %parallel_loop3A_334 = arith.constant 4 : i32
        %parallel_loop3A_335 = arith.index_cast %rem3A_94 : i32 to index
        %parallel_loop3A_336 = arith.index_cast %parallel_loop3A_143 : i32 to index
        %parallel_loop3A_337 = arith.index_cast %parallel_loop3A_333 : i32 to index
        %parallel_loop3A_338 = arith.index_cast %parallel_loop3A_334 : i32 to index
        %parallel_loop3A_339 = arith.constant 0 : index
        %parallel_loop3A_340 = tpu.vector_load %arg10[%parallel_loop3A_335, %parallel_loop3A_336, %parallel_loop3A_337, %parallel_loop3A_338, %parallel_loop3A_339] {strides = array<i32>} : memref<2x50x4x8x16xf32, #tpu.memory_space<vmem>>, vector<16xf32>,
        tpu.vector_store %arg10[%parallel_loop3A_335, %parallel_loop3A_336, %parallel_loop3A_337, %parallel_loop3A_338, %parallel_loop3A_339], %parallel_loop3A_332 {strides = array<i32>} : memref<2x50x4x8x16xf32, #tpu.memory_space<vmem>>, vector<16xf32>,
        %parallel_loop3A_341 = arith.constant 13 : i32
        %parallel_loop3A_342 = vector.broadcast %parallel_loop3A_341 : i32 to vector<16xi32>
        %parallel_loop3A_343 = arith.constant 0 : i32
        %parallel_loop3A_344 = arith.constant 0 : i32
        %parallel_loop3A_345 = tpu.memref_slice %arg9[%rem3A_94, %parallel_loop3A_343, %parallel_loop3A_344] : memref<2x800x32xf32, #tpu.memory_space<vmem>> -> memref<1x800x32xf32, #tpu.memory_space<vmem>>
        %parallel_loop3A_346 = tpu.memref_squeeze %parallel_loop3A_345 : memref<1x800x32xf32, #tpu.memory_space<vmem>> -> memref<800x32xf32, #tpu.memory_space<vmem>>
        %parallel_loop3A_347 = tpu.vector_load_idx %parallel_loop3A_346[%parallel_loop3A_145, %parallel_loop3A_342] : memref<800x32xf32, #tpu.memory_space<vmem>>[vector<16xi32>, vector<16xi32>], vector<16xf32>,
        %parallel_loop3A_348 = arith.constant 1 : i32
        %parallel_loop3A_349 = arith.constant 5 : i32
        %parallel_loop3A_350 = arith.index_cast %rem3A_94 : i32 to index
        %parallel_loop3A_351 = arith.index_cast %parallel_loop3A_143 : i32 to index
        %parallel_loop3A_352 = arith.index_cast %parallel_loop3A_348 : i32 to index
        %parallel_loop3A_353 = arith.index_cast %parallel_loop3A_349 : i32 to index
        %parallel_loop3A_354 = arith.constant 0 : index
        %parallel_loop3A_355 = tpu.vector_load %arg10[%parallel_loop3A_350, %parallel_loop3A_351, %parallel_loop3A_352, %parallel_loop3A_353, %parallel_loop3A_354] {strides = array<i32>} : memref<2x50x4x8x16xf32, #tpu.memory_space<vmem>>, vector<16xf32>,
        tpu.vector_store %arg10[%parallel_loop3A_350, %parallel_loop3A_351, %parallel_loop3A_352, %parallel_loop3A_353, %parallel_loop3A_354], %parallel_loop3A_347 {strides = array<i32>} : memref<2x50x4x8x16xf32, #tpu.memory_space<vmem>>, vector<16xf32>,
        %parallel_loop3A_356 = arith.constant 14 : i32
        %parallel_loop3A_357 = vector.broadcast %parallel_loop3A_356 : i32 to vector<16xi32>
        %parallel_loop3A_358 = arith.constant 0 : i32
        %parallel_loop3A_359 = arith.constant 0 : i32
        %parallel_loop3A_360 = tpu.memref_slice %arg9[%rem3A_94, %parallel_loop3A_358, %parallel_loop3A_359] : memref<2x800x32xf32, #tpu.memory_space<vmem>> -> memref<1x800x32xf32, #tpu.memory_space<vmem>>
        %parallel_loop3A_361 = tpu.memref_squeeze %parallel_loop3A_360 : memref<1x800x32xf32, #tpu.memory_space<vmem>> -> memref<800x32xf32, #tpu.memory_space<vmem>>
        %parallel_loop3A_362 = tpu.vector_load_idx %parallel_loop3A_361[%parallel_loop3A_145, %parallel_loop3A_357] : memref<800x32xf32, #tpu.memory_space<vmem>>[vector<16xi32>, vector<16xi32>], vector<16xf32>,
        %parallel_loop3A_363 = arith.constant 1 : i32
        %parallel_loop3A_364 = arith.constant 6 : i32
        %parallel_loop3A_365 = arith.index_cast %rem3A_94 : i32 to index
        %parallel_loop3A_366 = arith.index_cast %parallel_loop3A_143 : i32 to index
        %parallel_loop3A_367 = arith.index_cast %parallel_loop3A_363 : i32 to index
        %parallel_loop3A_368 = arith.index_cast %parallel_loop3A_364 : i32 to index
        %parallel_loop3A_369 = arith.constant 0 : index
        %parallel_loop3A_370 = tpu.vector_load %arg10[%parallel_loop3A_365, %parallel_loop3A_366, %parallel_loop3A_367, %parallel_loop3A_368, %parallel_loop3A_369] {strides = array<i32>} : memref<2x50x4x8x16xf32, #tpu.memory_space<vmem>>, vector<16xf32>,
        tpu.vector_store %arg10[%parallel_loop3A_365, %parallel_loop3A_366, %parallel_loop3A_367, %parallel_loop3A_368, %parallel_loop3A_369], %parallel_loop3A_362 {strides = array<i32>} : memref<2x50x4x8x16xf32, #tpu.memory_space<vmem>>, vector<16xf32>,
        %parallel_loop3A_371 = arith.constant 15 : i32
        %parallel_loop3A_372 = vector.broadcast %parallel_loop3A_371 : i32 to vector<16xi32>
        %parallel_loop3A_373 = arith.constant 0 : i32
        %parallel_loop3A_374 = arith.constant 0 : i32
        %parallel_loop3A_375 = tpu.memref_slice %arg9[%rem3A_94, %parallel_loop3A_373, %parallel_loop3A_374] : memref<2x800x32xf32, #tpu.memory_space<vmem>> -> memref<1x800x32xf32, #tpu.memory_space<vmem>>
        %parallel_loop3A_376 = tpu.memref_squeeze %parallel_loop3A_375 : memref<1x800x32xf32, #tpu.memory_space<vmem>> -> memref<800x32xf32, #tpu.memory_space<vmem>>
        %parallel_loop3A_377 = tpu.vector_load_idx %parallel_loop3A_376[%parallel_loop3A_145, %parallel_loop3A_372] : memref<800x32xf32, #tpu.memory_space<vmem>>[vector<16xi32>, vector<16xi32>], vector<16xf32>,
        %parallel_loop3A_378 = arith.constant 1 : i32
        %parallel_loop3A_379 = arith.constant 7 : i32
        %parallel_loop3A_380 = arith.index_cast %rem3A_94 : i32 to index
        %parallel_loop3A_381 = arith.index_cast %parallel_loop3A_143 : i32 to index
        %parallel_loop3A_382 = arith.index_cast %parallel_loop3A_378 : i32 to index
        %parallel_loop3A_383 = arith.index_cast %parallel_loop3A_379 : i32 to index
        %parallel_loop3A_384 = arith.constant 0 : index
        %parallel_loop3A_385 = tpu.vector_load %arg10[%parallel_loop3A_380, %parallel_loop3A_381, %parallel_loop3A_382, %parallel_loop3A_383, %parallel_loop3A_384] {strides = array<i32>} : memref<2x50x4x8x16xf32, #tpu.memory_space<vmem>>, vector<16xf32>,
        tpu.vector_store %arg10[%parallel_loop3A_380, %parallel_loop3A_381, %parallel_loop3A_382, %parallel_loop3A_383, %parallel_loop3A_384], %parallel_loop3A_377 {strides = array<i32>} : memref<2x50x4x8x16xf32, #tpu.memory_space<vmem>>, vector<16xf32>,
        %parallel_loop3A_386 = arith.constant 16 : i32
        %parallel_loop3A_387 = vector.broadcast %parallel_loop3A_386 : i32 to vector<16xi32>
        %parallel_loop3A_388 = arith.constant 0 : i32
        %parallel_loop3A_389 = arith.constant 0 : i32
        %parallel_loop3A_390 = tpu.memref_slice %arg9[%rem3A_94, %parallel_loop3A_388, %parallel_loop3A_389] : memref<2x800x32xf32, #tpu.memory_space<vmem>> -> memref<1x800x32xf32, #tpu.memory_space<vmem>>
        %parallel_loop3A_391 = tpu.memref_squeeze %parallel_loop3A_390 : memref<1x800x32xf32, #tpu.memory_space<vmem>> -> memref<800x32xf32, #tpu.memory_space<vmem>>
        %parallel_loop3A_392 = tpu.vector_load_idx %parallel_loop3A_391[%parallel_loop3A_145, %parallel_loop3A_387] : memref<800x32xf32, #tpu.memory_space<vmem>>[vector<16xi32>, vector<16xi32>], vector<16xf32>,
        %parallel_loop3A_393 = arith.constant 2 : i32
        %parallel_loop3A_394 = arith.constant 0 : i32
        %parallel_loop3A_395 = arith.index_cast %rem3A_94 : i32 to index
        %parallel_loop3A_396 = arith.index_cast %parallel_loop3A_143 : i32 to index
        %parallel_loop3A_397 = arith.index_cast %parallel_loop3A_393 : i32 to index
        %parallel_loop3A_398 = arith.index_cast %parallel_loop3A_394 : i32 to index
        %parallel_loop3A_399 = arith.constant 0 : index
        %parallel_loop3A_400 = tpu.vector_load %arg10[%parallel_loop3A_395, %parallel_loop3A_396, %parallel_loop3A_397, %parallel_loop3A_398, %parallel_loop3A_399] {strides = array<i32>} : memref<2x50x4x8x16xf32, #tpu.memory_space<vmem>>, vector<16xf32>,
        tpu.vector_store %arg10[%parallel_loop3A_395, %parallel_loop3A_396, %parallel_loop3A_397, %parallel_loop3A_398, %parallel_loop3A_399], %parallel_loop3A_392 {strides = array<i32>} : memref<2x50x4x8x16xf32, #tpu.memory_space<vmem>>, vector<16xf32>,
        %parallel_loop3A_401 = arith.constant 17 : i32
        %parallel_loop3A_402 = vector.broadcast %parallel_loop3A_401 : i32 to vector<16xi32>
        %parallel_loop3A_403 = arith.constant 0 : i32
        %parallel_loop3A_404 = arith.constant 0 : i32
        %parallel_loop3A_405 = tpu.memref_slice %arg9[%rem3A_94, %parallel_loop3A_403, %parallel_loop3A_404] : memref<2x800x32xf32, #tpu.memory_space<vmem>> -> memref<1x800x32xf32, #tpu.memory_space<vmem>>
        %parallel_loop3A_406 = tpu.memref_squeeze %parallel_loop3A_405 : memref<1x800x32xf32, #tpu.memory_space<vmem>> -> memref<800x32xf32, #tpu.memory_space<vmem>>
        %parallel_loop3A_407 = tpu.vector_load_idx %parallel_loop3A_406[%parallel_loop3A_145, %parallel_loop3A_402] : memref<800x32xf32, #tpu.memory_space<vmem>>[vector<16xi32>, vector<16xi32>], vector<16xf32>,
        %parallel_loop3A_408 = arith.constant 2 : i32
        %parallel_loop3A_409 = arith.constant 1 : i32
        %parallel_loop3A_410 = arith.index_cast %rem3A_94 : i32 to index
        %parallel_loop3A_411 = arith.index_cast %parallel_loop3A_143 : i32 to index
        %parallel_loop3A_412 = arith.index_cast %parallel_loop3A_408 : i32 to index
        %parallel_loop3A_413 = arith.index_cast %parallel_loop3A_409 : i32 to index
        %parallel_loop3A_414 = arith.constant 0 : index
        %parallel_loop3A_415 = tpu.vector_load %arg10[%parallel_loop3A_410, %parallel_loop3A_411, %parallel_loop3A_412, %parallel_loop3A_413, %parallel_loop3A_414] {strides = array<i32>} : memref<2x50x4x8x16xf32, #tpu.memory_space<vmem>>, vector<16xf32>,
        tpu.vector_store %arg10[%parallel_loop3A_410, %parallel_loop3A_411, %parallel_loop3A_412, %parallel_loop3A_413, %parallel_loop3A_414], %parallel_loop3A_407 {strides = array<i32>} : memref<2x50x4x8x16xf32, #tpu.memory_space<vmem>>, vector<16xf32>,
        %parallel_loop3A_416 = arith.constant 18 : i32
        %parallel_loop3A_417 = vector.broadcast %parallel_loop3A_416 : i32 to vector<16xi32>
        %parallel_loop3A_418 = arith.constant 0 : i32
        %parallel_loop3A_419 = arith.constant 0 : i32
        %parallel_loop3A_420 = tpu.memref_slice %arg9[%rem3A_94, %parallel_loop3A_418, %parallel_loop3A_419] : memref<2x800x32xf32, #tpu.memory_space<vmem>> -> memref<1x800x32xf32, #tpu.memory_space<vmem>>
        %parallel_loop3A_421 = tpu.memref_squeeze %parallel_loop3A_420 : memref<1x800x32xf32, #tpu.memory_space<vmem>> -> memref<800x32xf32, #tpu.memory_space<vmem>>
        %parallel_loop3A_422 = tpu.vector_load_idx %parallel_loop3A_421[%parallel_loop3A_145, %parallel_loop3A_417] : memref<800x32xf32, #tpu.memory_space<vmem>>[vector<16xi32>, vector<16xi32>], vector<16xf32>,
        %parallel_loop3A_423 = arith.constant 2 : i32
        %parallel_loop3A_424 = arith.constant 2 : i32
        %parallel_loop3A_425 = arith.index_cast %rem3A_94 : i32 to index
        %parallel_loop3A_426 = arith.index_cast %parallel_loop3A_143 : i32 to index
        %parallel_loop3A_427 = arith.index_cast %parallel_loop3A_423 : i32 to index
        %parallel_loop3A_428 = arith.index_cast %parallel_loop3A_424 : i32 to index
        %parallel_loop3A_429 = arith.constant 0 : index
        %parallel_loop3A_430 = tpu.vector_load %arg10[%parallel_loop3A_425, %parallel_loop3A_426, %parallel_loop3A_427, %parallel_loop3A_428, %parallel_loop3A_429] {strides = array<i32>} : memref<2x50x4x8x16xf32, #tpu.memory_space<vmem>>, vector<16xf32>,
        tpu.vector_store %arg10[%parallel_loop3A_425, %parallel_loop3A_426, %parallel_loop3A_427, %parallel_loop3A_428, %parallel_loop3A_429], %parallel_loop3A_422 {strides = array<i32>} : memref<2x50x4x8x16xf32, #tpu.memory_space<vmem>>, vector<16xf32>,
        %parallel_loop3A_431 = arith.constant 19 : i32
        %parallel_loop3A_432 = vector.broadcast %parallel_loop3A_431 : i32 to vector<16xi32>
        %parallel_loop3A_433 = arith.constant 0 : i32
        %parallel_loop3A_434 = arith.constant 0 : i32
        %parallel_loop3A_435 = tpu.memref_slice %arg9[%rem3A_94, %parallel_loop3A_433, %parallel_loop3A_434] : memref<2x800x32xf32, #tpu.memory_space<vmem>> -> memref<1x800x32xf32, #tpu.memory_space<vmem>>
        %parallel_loop3A_436 = tpu.memref_squeeze %parallel_loop3A_435 : memref<1x800x32xf32, #tpu.memory_space<vmem>> -> memref<800x32xf32, #tpu.memory_space<vmem>>
        %parallel_loop3A_437 = tpu.vector_load_idx %parallel_loop3A_436[%parallel_loop3A_145, %parallel_loop3A_432] : memref<800x32xf32, #tpu.memory_space<vmem>>[vector<16xi32>, vector<16xi32>], vector<16xf32>,
        %parallel_loop3A_438 = arith.constant 2 : i32
        %parallel_loop3A_439 = arith.constant 3 : i32
        %parallel_loop3A_440 = arith.index_cast %rem3A_94 : i32 to index
        %parallel_loop3A_441 = arith.index_cast %parallel_loop3A_143 : i32 to index
        %parallel_loop3A_442 = arith.index_cast %parallel_loop3A_438 : i32 to index
        %parallel_loop3A_443 = arith.index_cast %parallel_loop3A_439 : i32 to index
        %parallel_loop3A_444 = arith.constant 0 : index
        %parallel_loop3A_445 = tpu.vector_load %arg10[%parallel_loop3A_440, %parallel_loop3A_441, %parallel_loop3A_442, %parallel_loop3A_443, %parallel_loop3A_444] {strides = array<i32>} : memref<2x50x4x8x16xf32, #tpu.memory_space<vmem>>, vector<16xf32>,
        tpu.vector_store %arg10[%parallel_loop3A_440, %parallel_loop3A_441, %parallel_loop3A_442, %parallel_loop3A_443, %parallel_loop3A_444], %parallel_loop3A_437 {strides = array<i32>} : memref<2x50x4x8x16xf32, #tpu.memory_space<vmem>>, vector<16xf32>,
        %parallel_loop3A_446 = arith.constant 20 : i32
        %parallel_loop3A_447 = vector.broadcast %parallel_loop3A_446 : i32 to vector<16xi32>
        %parallel_loop3A_448 = arith.constant 0 : i32
        %parallel_loop3A_449 = arith.constant 0 : i32
        %parallel_loop3A_450 = tpu.memref_slice %arg9[%rem3A_94, %parallel_loop3A_448, %parallel_loop3A_449] : memref<2x800x32xf32, #tpu.memory_space<vmem>> -> memref<1x800x32xf32, #tpu.memory_space<vmem>>
        %parallel_loop3A_451 = tpu.memref_squeeze %parallel_loop3A_450 : memref<1x800x32xf32, #tpu.memory_space<vmem>> -> memref<800x32xf32, #tpu.memory_space<vmem>>
        %parallel_loop3A_452 = tpu.vector_load_idx %parallel_loop3A_451[%parallel_loop3A_145, %parallel_loop3A_447] : memref<800x32xf32, #tpu.memory_space<vmem>>[vector<16xi32>, vector<16xi32>], vector<16xf32>,
        %parallel_loop3A_453 = arith.constant 2 : i32
        %parallel_loop3A_454 = arith.constant 4 : i32
        %parallel_loop3A_455 = arith.index_cast %rem3A_94 : i32 to index
        %parallel_loop3A_456 = arith.index_cast %parallel_loop3A_143 : i32 to index
        %parallel_loop3A_457 = arith.index_cast %parallel_loop3A_453 : i32 to index
        %parallel_loop3A_458 = arith.index_cast %parallel_loop3A_454 : i32 to index
        %parallel_loop3A_459 = arith.constant 0 : index
        %parallel_loop3A_460 = tpu.vector_load %arg10[%parallel_loop3A_455, %parallel_loop3A_456, %parallel_loop3A_457, %parallel_loop3A_458, %parallel_loop3A_459] {strides = array<i32>} : memref<2x50x4x8x16xf32, #tpu.memory_space<vmem>>, vector<16xf32>,
        tpu.vector_store %arg10[%parallel_loop3A_455, %parallel_loop3A_456, %parallel_loop3A_457, %parallel_loop3A_458, %parallel_loop3A_459], %parallel_loop3A_452 {strides = array<i32>} : memref<2x50x4x8x16xf32, #tpu.memory_space<vmem>>, vector<16xf32>,
        %parallel_loop3A_461 = arith.constant 21 : i32
        %parallel_loop3A_462 = vector.broadcast %parallel_loop3A_461 : i32 to vector<16xi32>
        %parallel_loop3A_463 = arith.constant 0 : i32
        %parallel_loop3A_464 = arith.constant 0 : i32
        %parallel_loop3A_465 = tpu.memref_slice %arg9[%rem3A_94, %parallel_loop3A_463, %parallel_loop3A_464] : memref<2x800x32xf32, #tpu.memory_space<vmem>> -> memref<1x800x32xf32, #tpu.memory_space<vmem>>
        %parallel_loop3A_466 = tpu.memref_squeeze %parallel_loop3A_465 : memref<1x800x32xf32, #tpu.memory_space<vmem>> -> memref<800x32xf32, #tpu.memory_space<vmem>>
        %parallel_loop3A_467 = tpu.vector_load_idx %parallel_loop3A_466[%parallel_loop3A_145, %parallel_loop3A_462] : memref<800x32xf32, #tpu.memory_space<vmem>>[vector<16xi32>, vector<16xi32>], vector<16xf32>,
        %parallel_loop3A_468 = arith.constant 2 : i32
        %parallel_loop3A_469 = arith.constant 5 : i32
        %parallel_loop3A_470 = arith.index_cast %rem3A_94 : i32 to index
        %parallel_loop3A_471 = arith.index_cast %parallel_loop3A_143 : i32 to index
        %parallel_loop3A_472 = arith.index_cast %parallel_loop3A_468 : i32 to index
        %parallel_loop3A_473 = arith.index_cast %parallel_loop3A_469 : i32 to index
        %parallel_loop3A_474 = arith.constant 0 : index
        %parallel_loop3A_475 = tpu.vector_load %arg10[%parallel_loop3A_470, %parallel_loop3A_471, %parallel_loop3A_472, %parallel_loop3A_473, %parallel_loop3A_474] {strides = array<i32>} : memref<2x50x4x8x16xf32, #tpu.memory_space<vmem>>, vector<16xf32>,
        tpu.vector_store %arg10[%parallel_loop3A_470, %parallel_loop3A_471, %parallel_loop3A_472, %parallel_loop3A_473, %parallel_loop3A_474], %parallel_loop3A_467 {strides = array<i32>} : memref<2x50x4x8x16xf32, #tpu.memory_space<vmem>>, vector<16xf32>,
        %parallel_loop3A_476 = arith.constant 22 : i32
        %parallel_loop3A_477 = vector.broadcast %parallel_loop3A_476 : i32 to vector<16xi32>
        %parallel_loop3A_478 = arith.constant 0 : i32
        %parallel_loop3A_479 = arith.constant 0 : i32
        %parallel_loop3A_480 = tpu.memref_slice %arg9[%rem3A_94, %parallel_loop3A_478, %parallel_loop3A_479] : memref<2x800x32xf32, #tpu.memory_space<vmem>> -> memref<1x800x32xf32, #tpu.memory_space<vmem>>
        %parallel_loop3A_481 = tpu.memref_squeeze %parallel_loop3A_480 : memref<1x800x32xf32, #tpu.memory_space<vmem>> -> memref<800x32xf32, #tpu.memory_space<vmem>>
        %parallel_loop3A_482 = tpu.vector_load_idx %parallel_loop3A_481[%parallel_loop3A_145, %parallel_loop3A_477] : memref<800x32xf32, #tpu.memory_space<vmem>>[vector<16xi32>, vector<16xi32>], vector<16xf32>,
        %parallel_loop3A_483 = arith.constant 2 : i32
        %parallel_loop3A_484 = arith.constant 6 : i32
        %parallel_loop3A_485 = arith.index_cast %rem3A_94 : i32 to index
        %parallel_loop3A_486 = arith.index_cast %parallel_loop3A_143 : i32 to index
        %parallel_loop3A_487 = arith.index_cast %parallel_loop3A_483 : i32 to index
        %parallel_loop3A_488 = arith.index_cast %parallel_loop3A_484 : i32 to index
        %parallel_loop3A_489 = arith.constant 0 : index
        %parallel_loop3A_490 = tpu.vector_load %arg10[%parallel_loop3A_485, %parallel_loop3A_486, %parallel_loop3A_487, %parallel_loop3A_488, %parallel_loop3A_489] {strides = array<i32>} : memref<2x50x4x8x16xf32, #tpu.memory_space<vmem>>, vector<16xf32>,
        tpu.vector_store %arg10[%parallel_loop3A_485, %parallel_loop3A_486, %parallel_loop3A_487, %parallel_loop3A_488, %parallel_loop3A_489], %parallel_loop3A_482 {strides = array<i32>} : memref<2x50x4x8x16xf32, #tpu.memory_space<vmem>>, vector<16xf32>,
        %parallel_loop3A_491 = arith.constant 23 : i32
        %parallel_loop3A_492 = vector.broadcast %parallel_loop3A_491 : i32 to vector<16xi32>
        %parallel_loop3A_493 = arith.constant 0 : i32
        %parallel_loop3A_494 = arith.constant 0 : i32
        %parallel_loop3A_495 = tpu.memref_slice %arg9[%rem3A_94, %parallel_loop3A_493, %parallel_loop3A_494] : memref<2x800x32xf32, #tpu.memory_space<vmem>> -> memref<1x800x32xf32, #tpu.memory_space<vmem>>
        %parallel_loop3A_496 = tpu.memref_squeeze %parallel_loop3A_495 : memref<1x800x32xf32, #tpu.memory_space<vmem>> -> memref<800x32xf32, #tpu.memory_space<vmem>>
        %parallel_loop3A_497 = tpu.vector_load_idx %parallel_loop3A_496[%parallel_loop3A_145, %parallel_loop3A_492] : memref<800x32xf32, #tpu.memory_space<vmem>>[vector<16xi32>, vector<16xi32>], vector<16xf32>,
        %parallel_loop3A_498 = arith.constant 2 : i32
        %parallel_loop3A_499 = arith.constant 7 : i32
        %parallel_loop3A_500 = arith.index_cast %rem3A_94 : i32 to index
        %parallel_loop3A_501 = arith.index_cast %parallel_loop3A_143 : i32 to index
        %parallel_loop3A_502 = arith.index_cast %parallel_loop3A_498 : i32 to index
        %parallel_loop3A_503 = arith.index_cast %parallel_loop3A_499 : i32 to index
        %parallel_loop3A_504 = arith.constant 0 : index
        %parallel_loop3A_505 = tpu.vector_load %arg10[%parallel_loop3A_500, %parallel_loop3A_501, %parallel_loop3A_502, %parallel_loop3A_503, %parallel_loop3A_504] {strides = array<i32>} : memref<2x50x4x8x16xf32, #tpu.memory_space<vmem>>, vector<16xf32>,
        tpu.vector_store %arg10[%parallel_loop3A_500, %parallel_loop3A_501, %parallel_loop3A_502, %parallel_loop3A_503, %parallel_loop3A_504], %parallel_loop3A_497 {strides = array<i32>} : memref<2x50x4x8x16xf32, #tpu.memory_space<vmem>>, vector<16xf32>,
        %parallel_loop3A_506 = arith.constant 24 : i32
        %parallel_loop3A_507 = vector.broadcast %parallel_loop3A_506 : i32 to vector<16xi32>
        %parallel_loop3A_508 = arith.constant 0 : i32
        %parallel_loop3A_509 = arith.constant 0 : i32
        %parallel_loop3A_510 = tpu.memref_slice %arg9[%rem3A_94, %parallel_loop3A_508, %parallel_loop3A_509] : memref<2x800x32xf32, #tpu.memory_space<vmem>> -> memref<1x800x32xf32, #tpu.memory_space<vmem>>
        %parallel_loop3A_511 = tpu.memref_squeeze %parallel_loop3A_510 : memref<1x800x32xf32, #tpu.memory_space<vmem>> -> memref<800x32xf32, #tpu.memory_space<vmem>>
        %parallel_loop3A_512 = tpu.vector_load_idx %parallel_loop3A_511[%parallel_loop3A_145, %parallel_loop3A_507] : memref<800x32xf32, #tpu.memory_space<vmem>>[vector<16xi32>, vector<16xi32>], vector<16xf32>,
        %parallel_loop3A_513 = arith.constant 3 : i32
        %parallel_loop3A_514 = arith.constant 0 : i32
        %parallel_loop3A_515 = arith.index_cast %rem3A_94 : i32 to index
        %parallel_loop3A_516 = arith.index_cast %parallel_loop3A_143 : i32 to index
        %parallel_loop3A_517 = arith.index_cast %parallel_loop3A_513 : i32 to index
        %parallel_loop3A_518 = arith.index_cast %parallel_loop3A_514 : i32 to index
        %parallel_loop3A_519 = arith.constant 0 : index
        %parallel_loop3A_520 = tpu.vector_load %arg10[%parallel_loop3A_515, %parallel_loop3A_516, %parallel_loop3A_517, %parallel_loop3A_518, %parallel_loop3A_519] {strides = array<i32>} : memref<2x50x4x8x16xf32, #tpu.memory_space<vmem>>, vector<16xf32>,
        tpu.vector_store %arg10[%parallel_loop3A_515, %parallel_loop3A_516, %parallel_loop3A_517, %parallel_loop3A_518, %parallel_loop3A_519], %parallel_loop3A_512 {strides = array<i32>} : memref<2x50x4x8x16xf32, #tpu.memory_space<vmem>>, vector<16xf32>,
        %parallel_loop3A_521 = arith.constant 25 : i32
        %parallel_loop3A_522 = vector.broadcast %parallel_loop3A_521 : i32 to vector<16xi32>
        %parallel_loop3A_523 = arith.constant 0 : i32
        %parallel_loop3A_524 = arith.constant 0 : i32
        %parallel_loop3A_525 = tpu.memref_slice %arg9[%rem3A_94, %parallel_loop3A_523, %parallel_loop3A_524] : memref<2x800x32xf32, #tpu.memory_space<vmem>> -> memref<1x800x32xf32, #tpu.memory_space<vmem>>
        %parallel_loop3A_526 = tpu.memref_squeeze %parallel_loop3A_525 : memref<1x800x32xf32, #tpu.memory_space<vmem>> -> memref<800x32xf32, #tpu.memory_space<vmem>>
        %parallel_loop3A_527 = tpu.vector_load_idx %parallel_loop3A_526[%parallel_loop3A_145, %parallel_loop3A_522] : memref<800x32xf32, #tpu.memory_space<vmem>>[vector<16xi32>, vector<16xi32>], vector<16xf32>,
        %parallel_loop3A_528 = arith.constant 3 : i32
        %parallel_loop3A_529 = arith.constant 1 : i32
        %parallel_loop3A_530 = arith.index_cast %rem3A_94 : i32 to index
        %parallel_loop3A_531 = arith.index_cast %parallel_loop3A_143 : i32 to index
        %parallel_loop3A_532 = arith.index_cast %parallel_loop3A_528 : i32 to index
        %parallel_loop3A_533 = arith.index_cast %parallel_loop3A_529 : i32 to index
        %parallel_loop3A_534 = arith.constant 0 : index
        %parallel_loop3A_535 = tpu.vector_load %arg10[%parallel_loop3A_530, %parallel_loop3A_531, %parallel_loop3A_532, %parallel_loop3A_533, %parallel_loop3A_534] {strides = array<i32>} : memref<2x50x4x8x16xf32, #tpu.memory_space<vmem>>, vector<16xf32>,
        tpu.vector_store %arg10[%parallel_loop3A_530, %parallel_loop3A_531, %parallel_loop3A_532, %parallel_loop3A_533, %parallel_loop3A_534], %parallel_loop3A_527 {strides = array<i32>} : memref<2x50x4x8x16xf32, #tpu.memory_space<vmem>>, vector<16xf32>,
        %parallel_loop3A_536 = arith.constant 26 : i32
        %parallel_loop3A_537 = vector.broadcast %parallel_loop3A_536 : i32 to vector<16xi32>
        %parallel_loop3A_538 = arith.constant 0 : i32
        %parallel_loop3A_539 = arith.constant 0 : i32
        %parallel_loop3A_540 = tpu.memref_slice %arg9[%rem3A_94, %parallel_loop3A_538, %parallel_loop3A_539] : memref<2x800x32xf32, #tpu.memory_space<vmem>> -> memref<1x800x32xf32, #tpu.memory_space<vmem>>
        %parallel_loop3A_541 = tpu.memref_squeeze %parallel_loop3A_540 : memref<1x800x32xf32, #tpu.memory_space<vmem>> -> memref<800x32xf32, #tpu.memory_space<vmem>>
        %parallel_loop3A_542 = tpu.vector_load_idx %parallel_loop3A_541[%parallel_loop3A_145, %parallel_loop3A_537] : memref<800x32xf32, #tpu.memory_space<vmem>>[vector<16xi32>, vector<16xi32>], vector<16xf32>,
        %parallel_loop3A_543 = arith.constant 3 : i32
        %parallel_loop3A_544 = arith.constant 2 : i32
        %parallel_loop3A_545 = arith.index_cast %rem3A_94 : i32 to index
        %parallel_loop3A_546 = arith.index_cast %parallel_loop3A_143 : i32 to index
        %parallel_loop3A_547 = arith.index_cast %parallel_loop3A_543 : i32 to index
        %parallel_loop3A_548 = arith.index_cast %parallel_loop3A_544 : i32 to index
        %parallel_loop3A_549 = arith.constant 0 : index
        %parallel_loop3A_550 = tpu.vector_load %arg10[%parallel_loop3A_545, %parallel_loop3A_546, %parallel_loop3A_547, %parallel_loop3A_548, %parallel_loop3A_549] {strides = array<i32>} : memref<2x50x4x8x16xf32, #tpu.memory_space<vmem>>, vector<16xf32>,
        tpu.vector_store %arg10[%parallel_loop3A_545, %parallel_loop3A_546, %parallel_loop3A_547, %parallel_loop3A_548, %parallel_loop3A_549], %parallel_loop3A_542 {strides = array<i32>} : memref<2x50x4x8x16xf32, #tpu.memory_space<vmem>>, vector<16xf32>,
        %parallel_loop3A_551 = arith.constant 27 : i32
        %parallel_loop3A_552 = vector.broadcast %parallel_loop3A_551 : i32 to vector<16xi32>
        %parallel_loop3A_553 = arith.constant 0 : i32
        %parallel_loop3A_554 = arith.constant 0 : i32
        %parallel_loop3A_555 = tpu.memref_slice %arg9[%rem3A_94, %parallel_loop3A_553, %parallel_loop3A_554] : memref<2x800x32xf32, #tpu.memory_space<vmem>> -> memref<1x800x32xf32, #tpu.memory_space<vmem>>
        %parallel_loop3A_556 = tpu.memref_squeeze %parallel_loop3A_555 : memref<1x800x32xf32, #tpu.memory_space<vmem>> -> memref<800x32xf32, #tpu.memory_space<vmem>>
        %parallel_loop3A_557 = tpu.vector_load_idx %parallel_loop3A_556[%parallel_loop3A_145, %parallel_loop3A_552] : memref<800x32xf32, #tpu.memory_space<vmem>>[vector<16xi32>, vector<16xi32>], vector<16xf32>,
        %parallel_loop3A_558 = arith.constant 3 : i32
        %parallel_loop3A_559 = arith.constant 3 : i32
        %parallel_loop3A_560 = arith.index_cast %rem3A_94 : i32 to index
        %parallel_loop3A_561 = arith.index_cast %parallel_loop3A_143 : i32 to index
        %parallel_loop3A_562 = arith.index_cast %parallel_loop3A_558 : i32 to index
        %parallel_loop3A_563 = arith.index_cast %parallel_loop3A_559 : i32 to index
        %parallel_loop3A_564 = arith.constant 0 : index
        %parallel_loop3A_565 = tpu.vector_load %arg10[%parallel_loop3A_560, %parallel_loop3A_561, %parallel_loop3A_562, %parallel_loop3A_563, %parallel_loop3A_564] {strides = array<i32>} : memref<2x50x4x8x16xf32, #tpu.memory_space<vmem>>, vector<16xf32>,
        tpu.vector_store %arg10[%parallel_loop3A_560, %parallel_loop3A_561, %parallel_loop3A_562, %parallel_loop3A_563, %parallel_loop3A_564], %parallel_loop3A_557 {strides = array<i32>} : memref<2x50x4x8x16xf32, #tpu.memory_space<vmem>>, vector<16xf32>,
        %parallel_loop3A_566 = arith.constant 28 : i32
        %parallel_loop3A_567 = vector.broadcast %parallel_loop3A_566 : i32 to vector<16xi32>
        %parallel_loop3A_568 = arith.constant 0 : i32
        %parallel_loop3A_569 = arith.constant 0 : i32
        %parallel_loop3A_570 = tpu.memref_slice %arg9[%rem3A_94, %parallel_loop3A_568, %parallel_loop3A_569] : memref<2x800x32xf32, #tpu.memory_space<vmem>> -> memref<1x800x32xf32, #tpu.memory_space<vmem>>
        %parallel_loop3A_571 = tpu.memref_squeeze %parallel_loop3A_570 : memref<1x800x32xf32, #tpu.memory_space<vmem>> -> memref<800x32xf32, #tpu.memory_space<vmem>>
        %parallel_loop3A_572 = tpu.vector_load_idx %parallel_loop3A_571[%parallel_loop3A_145, %parallel_loop3A_567] : memref<800x32xf32, #tpu.memory_space<vmem>>[vector<16xi32>, vector<16xi32>], vector<16xf32>,
        %parallel_loop3A_573 = arith.constant 3 : i32
        %parallel_loop3A_574 = arith.constant 4 : i32
        %parallel_loop3A_575 = arith.index_cast %rem3A_94 : i32 to index
        %parallel_loop3A_576 = arith.index_cast %parallel_loop3A_143 : i32 to index
        %parallel_loop3A_577 = arith.index_cast %parallel_loop3A_573 : i32 to index
        %parallel_loop3A_578 = arith.index_cast %parallel_loop3A_574 : i32 to index
        %parallel_loop3A_579 = arith.constant 0 : index
        %parallel_loop3A_580 = tpu.vector_load %arg10[%parallel_loop3A_575, %parallel_loop3A_576, %parallel_loop3A_577, %parallel_loop3A_578, %parallel_loop3A_579] {strides = array<i32>} : memref<2x50x4x8x16xf32, #tpu.memory_space<vmem>>, vector<16xf32>,
        tpu.vector_store %arg10[%parallel_loop3A_575, %parallel_loop3A_576, %parallel_loop3A_577, %parallel_loop3A_578, %parallel_loop3A_579], %parallel_loop3A_572 {strides = array<i32>} : memref<2x50x4x8x16xf32, #tpu.memory_space<vmem>>, vector<16xf32>,
        %parallel_loop3A_581 = arith.constant 29 : i32
        %parallel_loop3A_582 = vector.broadcast %parallel_loop3A_581 : i32 to vector<16xi32>
        %parallel_loop3A_583 = arith.constant 0 : i32
        %parallel_loop3A_584 = arith.constant 0 : i32
        %parallel_loop3A_585 = tpu.memref_slice %arg9[%rem3A_94, %parallel_loop3A_583, %parallel_loop3A_584] : memref<2x800x32xf32, #tpu.memory_space<vmem>> -> memref<1x800x32xf32, #tpu.memory_space<vmem>>
        %parallel_loop3A_586 = tpu.memref_squeeze %parallel_loop3A_585 : memref<1x800x32xf32, #tpu.memory_space<vmem>> -> memref<800x32xf32, #tpu.memory_space<vmem>>
        %parallel_loop3A_587 = tpu.vector_load_idx %parallel_loop3A_586[%parallel_loop3A_145, %parallel_loop3A_582] : memref<800x32xf32, #tpu.memory_space<vmem>>[vector<16xi32>, vector<16xi32>], vector<16xf32>,
        %parallel_loop3A_588 = arith.constant 3 : i32
        %parallel_loop3A_589 = arith.constant 5 : i32
        %parallel_loop3A_590 = arith.index_cast %rem3A_94 : i32 to index
        %parallel_loop3A_591 = arith.index_cast %parallel_loop3A_143 : i32 to index
        %parallel_loop3A_592 = arith.index_cast %parallel_loop3A_588 : i32 to index
        %parallel_loop3A_593 = arith.index_cast %parallel_loop3A_589 : i32 to index
        %parallel_loop3A_594 = arith.constant 0 : index
        %parallel_loop3A_595 = tpu.vector_load %arg10[%parallel_loop3A_590, %parallel_loop3A_591, %parallel_loop3A_592, %parallel_loop3A_593, %parallel_loop3A_594] {strides = array<i32>} : memref<2x50x4x8x16xf32, #tpu.memory_space<vmem>>, vector<16xf32>,
        tpu.vector_store %arg10[%parallel_loop3A_590, %parallel_loop3A_591, %parallel_loop3A_592, %parallel_loop3A_593, %parallel_loop3A_594], %parallel_loop3A_587 {strides = array<i32>} : memref<2x50x4x8x16xf32, #tpu.memory_space<vmem>>, vector<16xf32>,
        %parallel_loop3A_596 = arith.constant 30 : i32
        %parallel_loop3A_597 = vector.broadcast %parallel_loop3A_596 : i32 to vector<16xi32>
        %parallel_loop3A_598 = arith.constant 0 : i32
        %parallel_loop3A_599 = arith.constant 0 : i32
        %parallel_loop3A_600 = tpu.memref_slice %arg9[%rem3A_94, %parallel_loop3A_598, %parallel_loop3A_599] : memref<2x800x32xf32, #tpu.memory_space<vmem>> -> memref<1x800x32xf32, #tpu.memory_space<vmem>>
        %parallel_loop3A_601 = tpu.memref_squeeze %parallel_loop3A_600 : memref<1x800x32xf32, #tpu.memory_space<vmem>> -> memref<800x32xf32, #tpu.memory_space<vmem>>
        %parallel_loop3A_602 = tpu.vector_load_idx %parallel_loop3A_601[%parallel_loop3A_145, %parallel_loop3A_597] : memref<800x32xf32, #tpu.memory_space<vmem>>[vector<16xi32>, vector<16xi32>], vector<16xf32>,
        %parallel_loop3A_603 = arith.constant 3 : i32
        %parallel_loop3A_604 = arith.constant 6 : i32
        %parallel_loop3A_605 = arith.index_cast %rem3A_94 : i32 to index
        %parallel_loop3A_606 = arith.index_cast %parallel_loop3A_143 : i32 to index
        %parallel_loop3A_607 = arith.index_cast %parallel_loop3A_603 : i32 to index
        %parallel_loop3A_608 = arith.index_cast %parallel_loop3A_604 : i32 to index
        %parallel_loop3A_609 = arith.constant 0 : index
        %parallel_loop3A_610 = tpu.vector_load %arg10[%parallel_loop3A_605, %parallel_loop3A_606, %parallel_loop3A_607, %parallel_loop3A_608, %parallel_loop3A_609] {strides = array<i32>} : memref<2x50x4x8x16xf32, #tpu.memory_space<vmem>>, vector<16xf32>,
        tpu.vector_store %arg10[%parallel_loop3A_605, %parallel_loop3A_606, %parallel_loop3A_607, %parallel_loop3A_608, %parallel_loop3A_609], %parallel_loop3A_602 {strides = array<i32>} : memref<2x50x4x8x16xf32, #tpu.memory_space<vmem>>, vector<16xf32>,
        %parallel_loop3A_611 = arith.constant 31 : i32
        %parallel_loop3A_612 = vector.broadcast %parallel_loop3A_611 : i32 to vector<16xi32>
        %parallel_loop3A_613 = arith.constant 0 : i32
        %parallel_loop3A_614 = arith.constant 0 : i32
        %parallel_loop3A_615 = tpu.memref_slice %arg9[%rem3A_94, %parallel_loop3A_613, %parallel_loop3A_614] : memref<2x800x32xf32, #tpu.memory_space<vmem>> -> memref<1x800x32xf32, #tpu.memory_space<vmem>>
        %parallel_loop3A_616 = tpu.memref_squeeze %parallel_loop3A_615 : memref<1x800x32xf32, #tpu.memory_space<vmem>> -> memref<800x32xf32, #tpu.memory_space<vmem>>
        %parallel_loop3A_617 = tpu.vector_load_idx %parallel_loop3A_616[%parallel_loop3A_145, %parallel_loop3A_612] : memref<800x32xf32, #tpu.memory_space<vmem>>[vector<16xi32>, vector<16xi32>], vector<16xf32>,
        %parallel_loop3A_618 = arith.constant 3 : i32
        %parallel_loop3A_619 = arith.constant 7 : i32
        %parallel_loop3A_620 = arith.index_cast %rem3A_94 : i32 to index
        %parallel_loop3A_621 = arith.index_cast %parallel_loop3A_143 : i32 to index
        %parallel_loop3A_622 = arith.index_cast %parallel_loop3A_618 : i32 to index
        %parallel_loop3A_623 = arith.index_cast %parallel_loop3A_619 : i32 to index
        %parallel_loop3A_624 = arith.constant 0 : index
        %parallel_loop3A_625 = tpu.vector_load %arg10[%parallel_loop3A_620, %parallel_loop3A_621, %parallel_loop3A_622, %parallel_loop3A_623, %parallel_loop3A_624] {strides = array<i32>} : memref<2x50x4x8x16xf32, #tpu.memory_space<vmem>>, vector<16xf32>,
        tpu.vector_store %arg10[%parallel_loop3A_620, %parallel_loop3A_621, %parallel_loop3A_622, %parallel_loop3A_623, %parallel_loop3A_624], %parallel_loop3A_617 {strides = array<i32>} : memref<2x50x4x8x16xf32, #tpu.memory_space<vmem>>, vector<16xf32>,
      } {sc.loop_unroll_factor = 2 : i64, sc.parallel_access}
      %mul3A_120 = arith.constant 16 : i32
      %mul3A_121 = arith.muli %scan3A_92, %mul3A_120 : i32
      %dma_start3A = arith.constant 0 : i32
      %dma_start3A_122 = arith.constant 0 : i32
      %dma_start3A_123 = arith.constant 0 : i32
      %dma_start3A_124 = arith.constant 0 : i32
      %dma_start3A_125 = tpu.memref_slice %arg10[%rem3A_94, %dma_start3A, %dma_start3A_122, %dma_start3A_123, %dma_start3A_124] : memref<2x50x4x8x16xf32, #tpu.memory_space<vmem>> -> memref<1x50x4x8x16xf32, #tpu.memory_space<vmem>>
      %dma_start3A_126 = tpu.memref_squeeze %dma_start3A_125 : memref<1x50x4x8x16xf32, #tpu.memory_space<vmem>> -> memref<50x4x8x16xf32, #tpu.memory_space<vmem>>
      %dma_start3A_127 = arith.constant 0 : i32
      %dma_start3A_128 = arith.constant 0 : i32
      %dma_start3A_129 = arith.constant 0 : i32
      %dma_start3A_130 = tpu.memref_slice %arg5[%dma_start3A_127, %dma_start3A_128, %add3A, %dma_start3A_129, %mul3A_121] : memref<50x4x32x8x128xf32, #tpu.memory_space<hbm>> -> memref<50x4x1x8x16xf32, #tpu.memory_space<hbm>>
      %dma_start3A_131 = tpu.memref_squeeze %dma_start3A_130 : memref<50x4x1x8x16xf32, #tpu.memory_space<hbm>> -> memref<50x4x8x16xf32, #tpu.memory_space<hbm>>
      %dma_start3A_132 = arith.constant 0 : i32
      %dma_start3A_133 = arith.constant 0 : i32
      %dma_start3A_134 = arith.constant 0 : i32
      %dma_start3A_135 = tpu.memref_slice %arg5[%dma_start3A_132, %dma_start3A_133, %add3A, %dma_start3A_134, %mul3A_121] : memref<50x4x32x8x128xf32, #tpu.memory_space<hbm>> -> memref<50x4x1x8x16xf32, #tpu.memory_space<hbm>>
      %dma_start3A_136 = tpu.memref_squeeze %dma_start3A_135 : memref<50x4x1x8x16xf32, #tpu.memory_space<hbm>> -> memref<50x4x8x16xf32, #tpu.memory_space<hbm>>
      %dma_start3A_137 = arith.constant 0 : i32
      %dma_start3A_138 = arith.constant 0 : i32
      %dma_start3A_139 = arith.constant 0 : i32
      %dma_start3A_140 = arith.constant 0 : i32
      %dma_start3A_141 = tpu.memref_slice %arg10[%rem3A_94, %dma_start3A_137, %dma_start3A_138, %dma_start3A_139, %dma_start3A_140] : memref<2x50x4x8x16xf32, #tpu.memory_space<vmem>> -> memref<1x50x4x8x16xf32, #tpu.memory_space<vmem>>
      %dma_start3A_142 = tpu.memref_squeeze %dma_start3A_141 : memref<1x50x4x8x16xf32, #tpu.memory_space<vmem>> -> memref<50x4x8x16xf32, #tpu.memory_space<vmem>>
      tpu.enqueue_dma source(%dma_start3A_142 : memref<50x4x8x16xf32, #tpu.memory_space<vmem>>) target(%dma_start3A_136 : memref<50x4x8x16xf32, #tpu.memory_space<hbm>>) target_semaphore(%arg13 : memref<!tpu.dma_semaphore, #tpu.memory_space<semaphore_mem>>)
    }
    %scan3A_39 = arith.constant 8 : i32
    %dma_wait3A_40 = arith.constant 0 : i32
    %dma_wait3A_41 = arith.constant 0 : i32
    %dma_wait3A_42 = arith.constant 0 : i32
    %dma_wait3A_43 = arith.constant 0 : i32
    %dma_wait3A_44 = arith.constant 0 : i32
    %dma_wait3A_45 = arith.constant 0 : i32
    %dma_wait3A_46 = tpu.memref_slice %arg10[%dma_wait3A_41, %dma_wait3A_42, %dma_wait3A_43, %dma_wait3A_44, %dma_wait3A_45] : memref<2x50x4x8x16xf32, #tpu.memory_space<vmem>> -> memref<1x50x4x8x16xf32, #tpu.memory_space<vmem>>
    %dma_wait3A_47 = tpu.memref_squeeze %dma_wait3A_46 : memref<1x50x4x8x16xf32, #tpu.memory_space<vmem>> -> memref<50x4x8x16xf32, #tpu.memory_space<vmem>>
    %dma_wait3A_48 = arith.constant 0 : i32
    %dma_wait3A_49 = arith.constant 0 : i32
    %dma_wait3A_50 = arith.constant 0 : i32
    %dma_wait3A_51 = arith.constant 0 : i32
    %dma_wait3A_52 = tpu.memref_slice %arg5[%dma_wait3A_48, %dma_wait3A_49, %dma_wait3A_40, %dma_wait3A_50, %dma_wait3A_51] : memref<50x4x32x8x128xf32, #tpu.memory_space<hbm>> -> memref<50x4x1x8x16xf32, #tpu.memory_space<hbm>>
    %dma_wait3A_53 = tpu.memref_squeeze %dma_wait3A_52 : memref<50x4x1x8x16xf32, #tpu.memory_space<hbm>> -> memref<50x4x8x16xf32, #tpu.memory_space<hbm>>
    %dma_wait3A_54 = arith.constant 0 : i32
    %dma_wait3A_55 = arith.constant 0 : i32
    %dma_wait3A_56 = arith.constant 0 : i32
    %dma_wait3A_57 = arith.constant 0 : i32
    %dma_wait3A_58 = tpu.memref_slice %arg10[%dma_wait3A_41, %dma_wait3A_54, %dma_wait3A_55, %dma_wait3A_56, %dma_wait3A_57] : memref<2x50x4x8x16xf32, #tpu.memory_space<vmem>> -> memref<1x50x4x8x16xf32, #tpu.memory_space<vmem>>
    %dma_wait3A_59 = tpu.memref_squeeze %dma_wait3A_58 : memref<1x50x4x8x16xf32, #tpu.memory_space<vmem>> -> memref<50x4x8x16xf32, #tpu.memory_space<vmem>>
    %dma_wait3A_60 = arith.constant 0 : i32
    %dma_wait3A_61 = arith.constant 0 : i32
    %dma_wait3A_62 = arith.constant 0 : i32
    %dma_wait3A_63 = arith.constant 0 : i32
    %dma_wait3A_64 = tpu.memref_slice %arg5[%dma_wait3A_60, %dma_wait3A_61, %dma_wait3A_40, %dma_wait3A_62, %dma_wait3A_63] : memref<50x4x32x8x128xf32, #tpu.memory_space<hbm>> -> memref<50x4x1x8x16xf32, #tpu.memory_space<hbm>>
    %dma_wait3A_65 = tpu.memref_squeeze %dma_wait3A_64 : memref<50x4x1x8x16xf32, #tpu.memory_space<hbm>> -> memref<50x4x8x16xf32, #tpu.memory_space<hbm>>
    tpu.wait_dma2 semaphore(%arg13 : memref<!tpu.dma_semaphore, #tpu.memory_space<semaphore_mem>>) src(%dma_wait3A_65 : memref<50x4x8x16xf32, #tpu.memory_space<hbm>>) dst(%dma_wait3A_59 : memref<50x4x8x16xf32, #tpu.memory_space<vmem>>)
    %dma_wait3A_66 = arith.constant 0 : i32
    %dma_wait3A_67 = arith.constant 1 : i32
    %dma_wait3A_68 = arith.constant 0 : i32
    %dma_wait3A_69 = arith.constant 0 : i32
    %dma_wait3A_70 = arith.constant 0 : i32
    %dma_wait3A_71 = arith.constant 0 : i32
    %dma_wait3A_72 = tpu.memref_slice %arg10[%dma_wait3A_67, %dma_wait3A_68, %dma_wait3A_69, %dma_wait3A_70, %dma_wait3A_71] : memref<2x50x4x8x16xf32, #tpu.memory_space<vmem>> -> memref<1x50x4x8x16xf32, #tpu.memory_space<vmem>>
    %dma_wait3A_73 = tpu.memref_squeeze %dma_wait3A_72 : memref<1x50x4x8x16xf32, #tpu.memory_space<vmem>> -> memref<50x4x8x16xf32, #tpu.memory_space<vmem>>
    %dma_wait3A_74 = arith.constant 0 : i32
    %dma_wait3A_75 = arith.constant 0 : i32
    %dma_wait3A_76 = arith.constant 0 : i32
    %dma_wait3A_77 = arith.constant 0 : i32
    %dma_wait3A_78 = tpu.memref_slice %arg5[%dma_wait3A_74, %dma_wait3A_75, %dma_wait3A_66, %dma_wait3A_76, %dma_wait3A_77] : memref<50x4x32x8x128xf32, #tpu.memory_space<hbm>> -> memref<50x4x1x8x16xf32, #tpu.memory_space<hbm>>
    %dma_wait3A_79 = tpu.memref_squeeze %dma_wait3A_78 : memref<50x4x1x8x16xf32, #tpu.memory_space<hbm>> -> memref<50x4x8x16xf32, #tpu.memory_space<hbm>>
    %dma_wait3A_80 = arith.constant 0 : i32
    %dma_wait3A_81 = arith.constant 0 : i32
    %dma_wait3A_82 = arith.constant 0 : i32
    %dma_wait3A_83 = arith.constant 0 : i32
    %dma_wait3A_84 = tpu.memref_slice %arg10[%dma_wait3A_67, %dma_wait3A_80, %dma_wait3A_81, %dma_wait3A_82, %dma_wait3A_83] : memref<2x50x4x8x16xf32, #tpu.memory_space<vmem>> -> memref<1x50x4x8x16xf32, #tpu.memory_space<vmem>>
    %dma_wait3A_85 = tpu.memref_squeeze %dma_wait3A_84 : memref<1x50x4x8x16xf32, #tpu.memory_space<vmem>> -> memref<50x4x8x16xf32, #tpu.memory_space<vmem>>
    %dma_wait3A_86 = arith.constant 0 : i32
    %dma_wait3A_87 = arith.constant 0 : i32
    %dma_wait3A_88 = arith.constant 0 : i32
    %dma_wait3A_89 = arith.constant 0 : i32
    %dma_wait3A_90 = tpu.memref_slice %arg5[%dma_wait3A_86, %dma_wait3A_87, %dma_wait3A_66, %dma_wait3A_88, %dma_wait3A_89] : memref<50x4x32x8x128xf32, #tpu.memory_space<hbm>> -> memref<50x4x1x8x16xf32, #tpu.memory_space<hbm>>
    %dma_wait3A_91 = tpu.memref_squeeze %dma_wait3A_90 : memref<50x4x1x8x16xf32, #tpu.memory_space<hbm>> -> memref<50x4x8x16xf32, #tpu.memory_space<hbm>>
    tpu.wait_dma2 semaphore(%arg13 : memref<!tpu.dma_semaphore, #tpu.memory_space<semaphore_mem>>) src(%dma_wait3A_91 : memref<50x4x8x16xf32, #tpu.memory_space<hbm>>) dst(%dma_wait3A_85 : memref<50x4x8x16xf32, #tpu.memory_space<vmem>>)
    return
  }
}

</mosaic_0001>

<sc_bundles>
// kernel: kernel.3.cloned.1.call-start
scs
__scs_entry_jumppad:
0x0: {  	(pc) =	sbr.rel $0x88, $3  }
0x1: {  	(tag) =	ssettag $0x0;
	lr =	simm.s32 $0x1  }
0x2: {  	[smem:$0x3F9F] =	sst lr;
	_ =	strace $0xD0000000  }
0x3: {  	_ = 	snop  }
0x4: {  	_ = 	snop  }
0x5: {  	_ = 	snop  }
0x6: {  	_ = 	snop  }
0x7: {  	_ = 	snop  }
__scs_overlays_trampoline_lowered:
0x8: {  	[smem:$0x3FAE] =	sst s0  }
0x9: {  	[smem:$0x3FAF] =	sst s1  }
0xa: {  	[smem:$0x3FB0] =	sst s2  }
0xb: {  	[smem:$0x3FB1] =	sst s3  }
0xc: {  	[smem:$0x3FB2] =	sst s4  }
0xd: {  	[smem:$0x3FB3] =	sst s5  }
0xe: {  	[smem:$0x3FB4] =	sst s6  }
0xf: {  	[smem:$0x3FB5] =	sst s7  }
0x10: {  	[smem:$0x3FB6] =	sst s8  }
0x11: {  	[smem:$0x3FB7] =	sst s9;
	s0 =	simm.s32 @!p0 $0x0  }
0x12: {  	s1 =	sld [smem:$0x3F9D];
	s0 =	simm.s32 @p0 $0x1  }
0x13: {  	[smem:$0x3FB8] =	sst s0;
	s0 =	simm.s32 @!p1 $0x0  }
0x14: {  	s2 =	sld [smem:$0x3F9C];
	s0 =	simm.s32 @p1 $0x1  }
0x15: {  	[smem:$0x3FB9] =	sst s0;
	s0 =	simm.s32 @!p2 $0x0  }
0x16: {  	s3 =	sld [smem:$0x3FDB];
	s0 =	simm.s32 @p2 $0x1  }
0x17: {  	s4 =	simm.s32 $0x1BF5;
	[smem:$0x3FBB] =	sst s0  }
0x18: {  	s0 =	sld [smem:$0x3F9E];
	_ =	swait.ge [sflag:s4], $0x0  }
0x19: {  	s7 =	sld [smem:$0x3F9F]  }
0x1a: {  	s8 =	sadd.s32 $0xFFFFE003, lr  }
0x1b: {  	s9 =	sadd.s32 $0xFFFFFEF7, lr;
	s5 =	simm.s32 $0xFFFFFFFF;
	p2 =	slt.u32 s8, $0xFFFFF086  }
0x1c: {  	p1 =	slt.u32 s9, $0xF7A;
	s5 =	simm.s32 @!p2 $0x0  }
0x1d: {  	s5 =	simm.s32 @p1 $0x1;
	p0 =	seq.s32 s7, s2  }
0x1e: {  	s7 =	smul.u32 @!p0 $0xF7A, s2;
	p2 =	seq.s32 @!p0 s5, $0x0  }
0x1f: {  	s9 =	smul.u32 $0xF7A, s1;
	s8 =	simm.s32 @!p0 $0x1BF5;
	p2 =	por !p2, p0  }
0x20: {  	[sflag:s8] =	ssyncset.s32 @!p0 $0xFFFFF086;
	s6 =	sadd.s32 @!p0 s3, s7;
	s7 =	simm.s32 @!p0 $0x108  }
0x21: {  	s3 =	sadd.s32 s3, s9;
	s6 =	sadd.s32 @!p0 $0x88, s6;
	s7 =	simm.s32 @p2 $0x1082  }
0x22: {  	[simem:s7], [sflag:s8] =	dma.local @!p0 [hbm:s6], $0xF7A  }
0x23: {  	s9 =	sor.u32 $0xD0000000, s2;
	s6 =	simm.s32 $0x108;
	_ =	swait.ge @!p0 [sflag:s8], $0x0  }
0x24: {  	s3 =	sadd.s32 $0x88, s3;
	s6 =	simm.s32 @!p1 $0x1082;
	[sflag:s4] =	ssyncset.s32 $0xFFFFF086  }
0x25: {  	[simem:s6], [sflag:s4] =	dma.local [hbm:s3], $0xF7A  }
0x26: {  	[smem:$0x3F9F] =	sst s1;
	(tag) =	ssettag s2;
	_ =	strace s9  }
0x27: {  	s1 =	sld [smem:$0x3FAF]  }
0x28: {  	s2 =	sld [smem:$0x3FB0]  }
0x29: {  	s4 =	sld [smem:$0x3FB2]  }
0x2a: {  	p0 =	seq.s32 s5, $0x0;
	s5 =	sld [smem:$0x3FB3]  }
0x2b: {  	s6 =	sld [smem:$0x3FB4]  }
0x2c: {  	s7 =	sld [smem:$0x3FB5]  }
0x2d: {  	s3 =	simm.s32 $0x108;
	s8 =	sld [smem:$0x3FB6]  }
0x2e: {  	s3 =	simm.s32 @!p0 $0x1082;
	s9 =	sld [smem:$0x3FB7]  }
0x2f: {  	lr =	sadd.s32 s0, s3;
	s0 =	sld [smem:$0x3FAE]  }
0x30: {  	s3 =	sld [smem:$0x3FB1]  }
0x31: {  	[smem:$0x3FBA] =	sst s10  }
0x32: {  	s10 =	sld [smem:$0x3FB8];
	_ =	sdelay $0x3  }
0x33: {  	p0 =	seq.s32 s10, $0x1;
	s10 =	sld [smem:$0x3FBA];
	_ =	sdelay $0x3  }
0x34: {  	[smem:$0x3FBA] =	sst s10  }
0x35: {  	s10 =	sld [smem:$0x3FB9];
	_ =	sdelay $0x3  }
0x36: {  	p1 =	seq.s32 s10, $0x1;
	s10 =	sld [smem:$0x3FBA];
	_ =	sdelay $0x3  }
0x37: {  	[smem:$0x3FBA] =	sst s10  }
0x38: {  	s10 =	sld [smem:$0x3FBB]  }
0x39: {  	_ = 	snop;
	(pc) =	sbr.ind lr, $3  }
0x3a: {  	_ = 	snop  }
0x3b: {  	_ = 	snop  }
0x3c: {  	p2 =	seq.s32 s10, $0x1;
	s10 =	sld [smem:$0x3FBA]  }
0x3d: {  	_ =	shalt  }
0x3e: {  	_ =	shalt  }
0x3f: {  	_ =	shalt  }
0x40: {  	_ =	shalt  }
0x41: {  	_ =	shalt  }
0x42: {  	_ =	shalt  }
0x43: {  	_ =	shalt  }
0x44: {  	_ =	shalt  }
0x45: {  	_ =	shalt  }
0x46: {  	_ =	shalt  }
0x47: {  	_ =	shalt  }
0x48: {  	_ =	shalt  }
0x49: {  	_ =	shalt  }
0x4a: {  	_ =	shalt  }
0x4b: {  	_ =	shalt  }
0x4c: {  	_ =	shalt  }
0x4d: {  	_ =	shalt  }
0x4e: {  	_ =	shalt  }
0x4f: {  	_ =	shalt  }
0x50: {  	_ =	shalt  }
0x51: {  	_ =	shalt  }
0x52: {  	_ =	shalt  }
0x53: {  	_ =	shalt  }
0x54: {  	_ =	shalt  }
0x55: {  	_ =	shalt  }
0x56: {  	_ =	shalt  }
0x57: {  	_ =	shalt  }
0x58: {  	_ =	shalt  }
0x59: {  	_ =	shalt  }
0x5a: {  	_ =	shalt  }
0x5b: {  	_ =	shalt  }
0x5c: {  	_ =	shalt  }
0x5d: {  	_ =	shalt  }
0x5e: {  	_ =	shalt  }
0x5f: {  	_ =	shalt  }
0x60: {  	_ =	shalt  }
0x61: {  	_ =	shalt  }
0x62: {  	_ =	shalt  }
0x63: {  	_ =	shalt  }
0x64: {  	_ =	shalt  }
0x65: {  	_ =	shalt  }
0x66: {  	_ =	shalt  }
0x67: {  	_ =	shalt  }
0x68: {  	_ =	shalt  }
0x69: {  	_ =	shalt  }
0x6a: {  	_ =	shalt  }
0x6b: {  	_ =	shalt  }
0x6c: {  	_ =	shalt  }
0x6d: {  	_ =	shalt  }
0x6e: {  	_ =	shalt  }
0x6f: {  	_ =	shalt  }
0x70: {  	_ =	shalt  }
0x71: {  	_ =	shalt  }
0x72: {  	_ =	shalt  }
0x73: {  	_ =	shalt  }
0x74: {  	_ =	shalt  }
0x75: {  	_ =	shalt  }
0x76: {  	_ =	shalt  }
0x77: {  	_ =	shalt  }
0x78: {  	_ =	shalt  }
0x79: {  	_ =	shalt  }
0x7a: {  	_ =	shalt  }
0x7b: {  	_ =	shalt  }
0x7c: {  	_ =	shalt  }
0x7d: {  	_ =	shalt  }
0x7e: {  	_ =	shalt  }
0x7f: {  	_ =	shalt  }
0x80: {  	_ =	shalt  }
0x81: {  	_ =	shalt  }
0x82: {  	_ =	shalt  }
0x83: {  	_ =	shalt  }
0x84: {  	_ =	shalt  }
0x85: {  	_ =	shalt  }
0x86: {  	_ =	shalt  }
0x87: {  	_ =	shalt  }
.Lfunc_end0:
.L_simem_size_0:
called_computation_lowered:
.L_overlay_start_0:
0x88: {  	s2 =	sld [smem:$0x3FD9]  }
0x89: {  	s3 =	sld [smem:$0x3FFE];
	_ =	sdelay $0x1  }
0x8a: {  	s1 =	srdreg.scid  }
0x8b: {  	s0 =	sand.u32 $0x1, s1  }
0x8c: {  	s17 =	sshll.u32 s0, $0xA;
	s2 =	sadd.s32 s3, s2  }
0x8d: {  	s2 =	sadd.s32 s2, s17  }
0x8e: {  	[smem:$0x3FC6] =	sst s2  }
0x8f: {  	_ = 	snop  }
0x90: {  	s2 =	sld [smem:$0x3FD0];
	(tm) =	ssettm $0x1  }
0x91: {  	s18 =	sld [smem:$0x3FFB];
	_ =	sdelay $0x3  }
0x92: {  	_ =	strace s18  }
0x93: {  	s3 =	sld [smem:$0x3FFC];
	_ =	sdelay $0x3  }
0x94: {  	_ =	strace s3  }
0x95: {  	s3 =	sld [smem:$0x3FFD];
	_ =	sdelay $0x3  }
0x96: {  	_ =	strace s3  }
0x97: {  	_ =	strace $0x8FFFFFFF  }
0x98: {  	s19 =	sld [smem:$0x3FDB];
	_ =	sdelay $0x1  }
0x99: {  	s4 =	simm.s32 $_scs_section_size  }
0x9a: {  	s5 =	simm.s32 $_size__tile_overlayer_lowered;
	s6 =	simm.s32 $_tile_overlayer_lowered  }
0x9b: {  	s22 =	simm.s32 $0x1BFF;
	s21 =	sshll.u32 s6, $0x1;
	s3 =	sadd.s32 s4, s19  }
0x9c: {  	s7 =	simm.s32 $0x0;
	s20 =	sshll.u32 s5, $0x1;
	s5 =	sadd.s32 s21, s3  }
0x9d: {  	[timem:s7], [sflag:s22] =	dma.local [hbm:s5], s20  }
0x9e: {  	_ =	swait.ge [sflag:s22], s20  }
0x9f: {  	s4 =	ssub.s32 $0x0, s20;
	[sflag:s22] =	ssyncset.done $0x0  }
0xa0: {  	[sflag:s22] =	ssyncadd.s32 s4;
	_ =	sdelay $0x1  }
0xa1: {  	s23 =	simm.s32 $0x1B8B  }
0xa2: {  	_ =	swait.ge [sflag:s23], $0x1  }
0xa3: {  	[sflag:s23] =	ssyncset.done $0x0  }
0xa4: {  	s25 =	simm.s32 $0x1B8E;
	s24 =	sld [smem:$0x3FFE];
	[sflag:s23] =	ssyncadd.s32 $0xFFFFFFFF  }
0xa5: {  	s26 =	simm.s32 $execute0_lowered;
	[smem:$0x3FD2] =	sst s25  }
0xa6: {  	s5 =	sshll.u32 s26, $0x1;
	_ =	strace $0x80000046;
	[dreg:$0x1] =	wrdreg $0xFFFFFFFF  }
0xa7: {  	s28 =	simm.s32 $_size_execute0_lowered;
	s3 =	sadd.s32 s3, s5;
	[dreg:$0x0] =	wrdreg $0x0  }
0xa8: {  	s5 =	sshll.u32 s28, $0x1;
	[dreg:$0x2] =	wrdreg s3  }
0xa9: {  	[dreg:$0x3] =	wrdreg s5  }
0xaa: {  	[dreg:$0x4] =	wrdreg $0xC0  }
0xab: {  	_ =	task [dreg:s7], $0x5FFFF  }
0xac: {  	[dreg:$0x1] =	wrdreg $0xFFFFFFFF  }
0xad: {  	[dreg:$0x0] =	wrdreg $0x60  }
0xae: {  	[dreg:$0x2] =	wrdreg s24  }
0xaf: {  	[dreg:$0x3] =	wrdreg s2  }
0xb0: {  	[dreg:$0x4] =	wrdreg $0x9  }
0xb1: {  	_ =	task.clear_ibuf [dreg:s7], $0x5FFFF;
	_ =	strace $0x90000046  }
0xb2: {  	s29 =	simm.s32 $0x9;
	_ =	strace $0x80000048  }
0xb3: {  	_ =	swait.ge [sflag:s29], $0x1  }
0xb4: {  	[sflag:s29] =	ssyncadd.s32 $0xFFFFFFFF  }
0xb5: {  	_ =	strace $0x90000048  }
0xb6: {  	_ =	sfence  }
0xb7: {  	s30 =	sld [smem:$0x0];
	_ =	sdelay $0x2  }
0xb8: {  	s31 =	sshll.u32 s1, $0xD;
	s1 =	sshrl.u32 s1, $0x2  }
0xb9: {  	s3 =	sand.u32 $0x4000, s31;
	s1 =	sadd.s32 s1, s30  }
0xba: {  	s0 =	sor.u32 s3, s0;
	s1 =	sshll.u32 s1, $0x11  }
0xbb: {  	s0 =	sor.u32 s1, s0  }
0xbc: {  	s0 =	sadd.s32 $0x8F2B, s0  }
0xbd: {  	[sflag:s0] =	ssyncadd.remote.s32 $0x1  }
0xbe: {  	_ =	sfence.sel $0xFFFF  }
0xbf: {  	[dreg:$0x0] =	wrdreg $0xFFFFFFFF;
	(pc) =	sbr.abs _section_cstart, $3  }
0xc0: {  	[dreg:$0x1] =	wrdreg $0xFFFFFFFF  }
0xc1: {  	_ =	task.clear_ibuf [dreg:s7], $0x2FFFF;
	_ =	strace $0x9FFFFFFF  }
0xc2: {  	(tm) =	ssettm $0x7FFFFFFF  }
0xc3: {  	_ =	shalt  }
tec
execute0_lowered:
.L_overlay_start_1:
0x0: {  	(tag) =	ssettag $0x1  }
0x1: {  	s0 =	srdreg.scid  }
0x2: {  	s2 =	stileid.u32;
	s1 =	rddreg [dreg:$0x0]  }
0x3: {  	s6 =	rddreg [dreg:$0x1];
	s8 =	simm.s32 $0x4;
	s9 =	simm.s32 $0x50  }
0x4: {  	s17 =	simm.s32 $0x35F0;
	s19 =	simm.s32 $0x3640;
	s21 =	simm.s32 $0x3690  }
0x5: {  	s23 =	simm.s32 $0x36E0;
	s25 =	simm.s32 $0x3730;
	s28 =	simm.s32 $0x3780  }
0x6: {  	s30 =	simm.s32 $0x37D0;
	s31 =	simm.s32 $0x1;
	s18 =	simm.s32 $0x2  }
0x7: {  	s20 =	simm.s32 $0x10;
	s22 =	simm.s32 $0x80;
	s24 =	simm.s32 $0x3  }
0x8: {  	s0 =	sand.u32 $0x1, s0;
	s2 =	sshll.u32 s2, $0x1;
	s4 =	sadd.s32 $0x187200, s1  }
0x9: {  	s7 =	sor.u32 s0, s2;
	s2 =	simm.s32 $0x0;
	s0 =	ssub.s32 $0x2, s0  }
0xa: {  	s3 =	smul.u32 $0x380, s7;
	[smem:$0x7FF] =	sst s2;
	s26 =	sshrl.u32 s0, $0x1  }
0xb: {  	s29 =	sshll.u32 s7, $0x7;
	_ =	strace $0x80000047;
	s0 =	ssub.s32 s0, s26  }
0xc: {  	v0 =	vlaneseq.u32;
	s6 =	sadd.s32 s6, s29;
	s26 =	simm.s32 $0x0;
	s5 =	sadd.s32 s3, s1  }
0xd: {  	v1 =	vimm.s32 $0x0;
	v2 =	vmul.u32 $0x640, v0;
	s3 =	sadd.s32 $0x7800, s1;
	s7 =	smax.u32 s0, $0x1;
	s5 =	sadd.s32 $0x800, s5  }
.LBB2_1:
0xe: {  	v3 =	vor.u32 s2, v0;
	s0 =	simm.s32 $0x10  }
0xf: {  	s14 =	simm.s32 $0x20;
	v4 =	vmulhi.u32 $0x51EB851F, v3;
	v5 =	vor.u32 s0, v0  }
0x10: {  	s1 =	simm.s32 $0x30;
	v13 =	vmov s2;
	s29 =	simm.s32 $0x70;
	v7 =	vor.u32 s14, v0;
	v6 =	vmulhi.u32 $0x51EB851F, v5  }
0x11: {  	v8 =	vor.u32 s1, v0;
	v55 =	vor.u32 s29, v0;
	v9 =	vmulhi.u32 $0x51EB851F, v7  }
0x12: {  	vm0 =	veq.s32 v13, v0;
	v15 =	vmulhi.u32 $0x51EB851F, v55;
	v4 =	vshrl.u32 v4, $0x4  }
0x13: {  	v11 =	vmulhi.u32 $0x51EB851F, v8;
	v10 =	vmul.u32 $0xFFFFFFCE, v4;
	v6 =	vshrl.u32 v6, $0x4  }
0x14: {  	v9 =	vshrl.u32 v9, $0x4;
	v57 =	vshrl.u32 v15, $0x4;
	v12 =	vmul.u32 $0xFFFFFFCE, v6  }
0x15: {  	v6 =	vmul.u32 $0x38, v6;
	v59 =	vmul.u32 $0xFFFFFFCE, v57;
	v3 =	vadd.s32 v3, v10  }
0x16: {  	v10 =	vshrl.u32 v11, $0x4;
	v11 =	vmul.u32 $0xFFFFFFCE, v9;
	v9 =	vmul.u32 $0x38, v9  }
0x17: {  	vm1 =	vne.s32 v3, $0x0;
	v5 =	vadd.s32 v5, v12;
	v51 =	vmul.u32 $0xFFFFFFCE, v10  }
0x18: {  	v54 =	vand.u32 $0x38, v3;
	v3 =	vand.u32 $0x7, v3;
	vm0 =	vmand vm0, vm1  }
0x19: {  	v7 =	vadd.s32 v7, v11;
	v11 =	vand.u32 $0x38, v5;
	v5 =	vand.u32 $0x7, v5  }
0x1a: {  	v52 =	vsel vm0, $0xFFFFFFFF, v1;
	v8 =	vadd.s32 v8, v51;
	v53 =	vand.u32 $0x38, v7  }
0x1b: {  	v6 =	vadd.s32 v11, v6;
	v4 =	vadd.s32 v52, v4;
	v11 =	vand.u32 $0x38, v8  }
0x1c: {  	s15 =	simm.s32 $0x40;
	v9 =	vadd.s32 v53, v9;
	v5 =	vor.u32 v5, v6;
	v4 =	vmul.u32 $0x38, v4  }
0x1d: {  	v6 =	vand.u32 $0x7, v7;
	v7 =	vand.u32 $0x7, v8;
	v8 =	vor.u32 s15, v0  }
0x1e: {  	v6 =	vor.u32 v6, v9;
	v9 =	vmulhi.u32 $0x51EB851F, v8;
	v4 =	vadd.s32 v54, v4  }
0x1f: {  	[tilespmem:s2], [sflag:$0x4] =	stream.linear.gather [hbm4b:s5+s2], $0x1C00, $0x38;
	v17 =	vmov s15;
	v10 =	vmul.u32 $0x38, v10;
	v3 =	vor.u32 v3, v4;
	[tilespmem:$0x1DE00] =	vst v63  }
0x20: {  	s16 =	simm.s32 $0x50;
	_ =	swait.ge [sflag:s8], $0x1C00;
	vm14 =	veq.s32 v17, v0;
	v12 =	vadd.s32 v55, v59;
	v9 =	vshrl.u32 v9, $0x4  }
0x21: {  	s10 =	simm.s32 $0x60;
	[sflag:s8] =	ssyncset.done $0x0;
	v4 =	vadd.s32 v11, v10;
	v10 =	vor.u32 s16, v0;
	v14 =	vmul.u32 $0xFFFFFFCE, v9  }
0x22: {  	[sflag:s8] =	ssyncadd.s32 $0xFFFFE400;
	v4 =	vor.u32 v7, v4;
	v7 =	vor.u32 s10, v0;
	v11 =	vmulhi.u32 $0x51EB851F, v10  }
0x23: {  	v63 =	vand.u32 $0x38, v12;
	v56 =	vmulhi.u32 $0x51EB851F, v7;
	v8 =	vadd.s32 v8, v14;
	v6 =	vld.idx.msk [tilespmem:v6+s2+$0x0], $0xffff  }
0x24: {  	v14 =	vmul.u32 $0x38, v57;
	v11 =	vshrl.u32 v11, $0x4;
	vm15 =	vne.s32 v8, $0x0;
	v3 =	vld.idx.msk [tilespmem:v3+s2+$0x0], $0xffff  }
0x25: {  	v16 =	vmul.u32 $0xFFFFFFCE, v11;
	v13 =	vshrl.u32 v56, $0x4;
	vm0 =	vmand vm14, vm15  }
0x26: {  	v5 =	vld.idx.msk [tilespmem:v5+s2+$0x0], $0xffff;
	v11 =	vmul.u32 $0x38, v11;
	v58 =	vmul.u32 $0xFFFFFFCE, v13;
	v60 =	vsel vm0, $0xFFFFFFFF, v1  }
0x27: {  	s0 =	simm.s32 $0x1C20;
	v13 =	vmul.u32 $0x38, v13;
	v10 =	vadd.s32 v10, v16;
	v4 =	vld.idx.msk [tilespmem:v4+s2+$0x0], $0xffff;
	v9 =	vadd.s32 v60, v9  }
0x28: {  	v7 =	vadd.s32 v7, v58;
	v9 =	vmul.u32 $0x38, v9;
	v61 =	vand.u32 $0x38, v10;
	[tilespmem:s0+$0x0] =	vst v6  }
0x29: {  	v6 =	vadd.s32 v63, v14;
	v62 =	vand.u32 $0x38, v7;
	[tilespmem:s0+$0xFFFFFFE0] =	vst v3;
	v3 =	vand.u32 $0x38, v8  }
0x2a: {  	v11 =	vadd.s32 v61, v11;
	v8 =	vand.u32 $0x7, v8;
	v3 =	vadd.s32 v3, v9  }
0x2b: {  	[tilespmem:s0+$0xFFFFFFF0] =	vst v5;
	v7 =	vand.u32 $0x7, v7;
	v3 =	vor.u32 v8, v3;
	v8 =	vand.u32 $0x7, v10  }
0x2c: {  	s1 =	simm.s32 $0x4;
	s10 =	simm.s32 $0x80;
	v5 =	vadd.s32 v62, v13;
	[tilespmem:s0+$0x10] =	vst v4;
	v4 =	vor.u32 v8, v11;
	v8 =	vand.u32 $0x7, v12  }
.LBB2_2:
0x2d: {  	v9 =	vor.u32 s10, v0;
	s11 =	sadd.s32 $0x10, s10;
	s12 =	sadd.s32 $0x20, s10;
	s1 =	sadd.s32 $0x4, s1;
	v5 =	vor.u32 v7, v5;
	v6 =	vor.u32 v8, v6  }
0x2e: {  	v7 =	vmulhi.u32 $0x51EB851F, v9;
	v8 =	vor.u32 s11, v0;
	v10 =	vor.u32 s12, v0;
	s11 =	sadd.s32 $0x30, s10;
	p0 =	slt.u32 s1, $0x18C  }
0x2f: {  	v11 =	vmulhi.u32 $0x51EB851F, v8;
	v12 =	vor.u32 s11, v0  }
0x30: {  	v13 =	vmulhi.u32 $0x51EB851F, v10;
	v7 =	vshrl.u32 v7, $0x4;
	v3 =	vld.idx.msk [tilespmem:v3+s2+$0x0], $0xffff  }
0x31: {  	v15 =	vmulhi.u32 $0x51EB851F, v12;
	v14 =	vmul.u32 $0xFFFFFFCE, v7;
	v11 =	vshrl.u32 v11, $0x4;
	v4 =	vld.idx.msk [tilespmem:v4+s2+$0x0], $0xffff  }
0x32: {  	v13 =	vshrl.u32 v13, $0x4;
	v16 =	vmul.u32 $0xFFFFFFCE, v11;
	v11 =	vmul.u32 $0x38, v11;
	v5 =	vld.idx.msk [tilespmem:v5+s2+$0x0], $0xffff  }
0x33: {  	v17 =	vmov s10;
	v9 =	vadd.s32 v9, v14;
	v14 =	vshrl.u32 v15, $0x4;
	v6 =	vld.idx.msk [tilespmem:v6+s2+$0x0], $0xffff  }
0x34: {  	vm0 =	veq.s32 v17, v0;
	v15 =	vmul.u32 $0xFFFFFFCE, v13;
	vm1 =	vne.s32 v9, $0x0  }
0x35: {  	s0 =	sadd.s32 $0x40, s0;
	v8 =	vadd.s32 v8, v16;
	v16 =	vmul.u32 $0xFFFFFFCE, v14;
	vm0 =	vmand vm0, vm1  }
0x36: {  	v13 =	vmul.u32 $0x38, v13;
	v10 =	vadd.s32 v10, v15;
	v17 =	vsel vm0, $0xFFFFFFFF, v1;
	[tilespmem:s0+$0xFFFFFFE0] =	vst v3  }
0x37: {  	v12 =	vadd.s32 v12, v16;
	v3 =	vadd.s32 v17, v7;
	v7 =	vmul.u32 $0x38, v14;
	[tilespmem:s0+$0xFFFFFFF0] =	vst v4  }
.Ltmp0:
0x38: {  	v4 =	vand.u32 $0x38, v8;
	v14 =	vand.u32 $0x38, v10;
	v3 =	vmul.u32 $0x38, v3;
	[tilespmem:s0+$0x0] =	vst v5;
	(pc) =	sbr.rel @p0 .LBB2_2-.Ltmp0, $4  }
0x39: {  	v5 =	vand.u32 $0x38, v9;
	v4 =	vadd.s32 v4, v11;
	v11 =	vand.u32 $0x38, v12;
	[tilespmem:s0+$0x10] =	vst v6  }
0x3a: {  	v6 =	vand.u32 $0x7, v9;
	v3 =	vadd.s32 v5, v3;
	v5 =	vadd.s32 v14, v13  }
0x3b: {  	v8 =	vand.u32 $0x7, v8;
	v3 =	vor.u32 v6, v3;
	v6 =	vadd.s32 v11, v7  }
0x3c: {  	s10 =	sadd.s32 $0x40, s10;
	v4 =	vor.u32 v8, v4;
	v8 =	vand.u32 $0x7, v12;
	v7 =	vand.u32 $0x7, v10  }
0x3d: {  	_ = 	snop  }
0x3e: {  	v5 =	vor.u32 v7, v5  }
0x3f: {  	v6 =	vor.u32 v8, v6;
	_ =	sdelay $0x1  }
0x40: {  	v3 =	vld.idx.msk [tilespmem:v3+s2+$0x0], $0xffff  }
0x41: {  	v4 =	vld.idx.msk [tilespmem:v4+s2+$0x0], $0xffff  }
0x42: {  	v5 =	vld.idx.msk [tilespmem:v5+s2+$0x0], $0xffff  }
0x43: {  	v6 =	vld.idx.msk [tilespmem:v6+s2+$0x0], $0xffff  }
0x44: {  	s0 =	sadd.s32 $0x40, s0  }
0x45: {  	[tilespmem:s0+$0xFFFFFFE0] =	vst v3  }
0x46: {  	[tilespmem:s0+$0xFFFFFFF0] =	vst v4  }
0x47: {  	[tilespmem:s0+$0x0] =	vst v5  }
0x48: {  	s11 =	simm.s32 $0x1C00;
	s1 =	simm.s32 $0x3500;
	[tilespmem:s0+$0x10] =	vst v6  }
0x49: {  	[tilespmem:s1], [sflag:$0x1] =	stream.indirect.gather [hbm4b:s3+s9], $0x1, s11, s9, $0xb8;
	[tilespmem:$0x1DE00] =	vst v63  }
0x4a: {  	s12 =	simm.s32 $0x1C50;
	s10 =	simm.s32 $0x3550  }
0x4b: {  	[tilespmem:s10], [sflag:$0x1] =	stream.indirect.gather [hbm4b:s3+s9], $0x1, s12, s9, $0xb8;
	[tilespmem:$0x1DE00] =	vst v63  }
0x4c: {  	s13 =	simm.s32 $0x1CA0;
	s11 =	simm.s32 $0x35A0  }
0x4d: {  	[tilespmem:s11], [sflag:$0x1] =	stream.indirect.gather [hbm4b:s3+s9], $0x1, s13, s9, $0xb8;
	[tilespmem:$0x1DE00] =	vst v63  }
0x4e: {  	s14 =	simm.s32 $0x1CF0  }
0x4f: {  	[tilespmem:s17], [sflag:$0x1] =	stream.indirect.gather [hbm4b:s3+s9], $0x1, s14, s9, $0xb8;
	[tilespmem:$0x1DE00] =	vst v63  }
0x50: {  	s15 =	simm.s32 $0x1D40  }
0x51: {  	[tilespmem:s19], [sflag:$0x1] =	stream.indirect.gather [hbm4b:s3+s9], $0x1, s15, s9, $0xb8;
	[tilespmem:$0x1DE00] =	vst v63  }
0x52: {  	s16 =	simm.s32 $0x1D90  }
0x53: {  	[tilespmem:s21], [sflag:$0x1] =	stream.indirect.gather [hbm4b:s3+s9], $0x1, s16, s9, $0xb8;
	[tilespmem:$0x1DE00] =	vst v63  }
0x54: {  	s12 =	simm.s32 $0x1DE0  }
0x55: {  	[tilespmem:s23], [sflag:$0x1] =	stream.indirect.gather [hbm4b:s3+s9], $0x1, s12, s9, $0xb8;
	[tilespmem:$0x1DE00] =	vst v63  }
0x56: {  	s13 =	simm.s32 $0x1E30  }
0x57: {  	[tilespmem:s25], [sflag:$0x1] =	stream.indirect.gather [hbm4b:s3+s9], $0x1, s13, s9, $0xb8;
	[tilespmem:$0x1DE00] =	vst v63  }
0x58: {  	s14 =	simm.s32 $0x1E80  }
0x59: {  	[tilespmem:s28], [sflag:$0x1] =	stream.indirect.gather [hbm4b:s3+s9], $0x1, s14, s9, $0xb8;
	[tilespmem:$0x1DE00] =	vst v63  }
0x5a: {  	s15 =	simm.s32 $0x1ED0  }
0x5b: {  	[tilespmem:s30], [sflag:$0x1] =	stream.indirect.gather [hbm4b:s3+s9], $0x1, s15, s9, $0xb8;
	[tilespmem:$0x1DE00] =	vst v63  }
0x5c: {  	_ =	swait.ge [sflag:s31], $0x320  }
0x5d: {  	[sflag:s31] =	ssyncset.done $0x0  }
0x5e: {  	s16 =	simm.s32 $0x1F20;
	s12 =	simm.s32 $0x3820;
	[sflag:s31] =	ssyncadd.s32 $0xFFFFFCE0  }
0x5f: {  	[tilespmem:s12], [sflag:$0x1] =	stream.indirect.gather [hbm4b:s3+s9], $0x1, s16, s9, $0xb8;
	[tilespmem:$0x1DE00] =	vst v63  }
0x60: {  	s13 =	simm.s32 $0x1F70;
	s14 =	simm.s32 $0x3870  }
0x61: {  	[tilespmem:s14], [sflag:$0x1] =	stream.indirect.gather [hbm4b:s3+s9], $0x1, s13, s9, $0xb8;
	[tilespmem:$0x1DE00] =	vst v63  }
0x62: {  	s15 =	simm.s32 $0x1FC0;
	s16 =	simm.s32 $0x38C0  }
0x63: {  	[tilespmem:s16], [sflag:$0x1] =	stream.indirect.gather [hbm4b:s3+s9], $0x1, s15, s9, $0xb8;
	[tilespmem:$0x1DE00] =	vst v63  }
0x64: {  	s13 =	simm.s32 $0x2010;
	s14 =	simm.s32 $0x3910  }
0x65: {  	[tilespmem:s14], [sflag:$0x1] =	stream.indirect.gather [hbm4b:s3+s9], $0x1, s13, s9, $0xb8;
	[tilespmem:$0x1DE00] =	vst v63  }
0x66: {  	s15 =	simm.s32 $0x2060;
	s16 =	simm.s32 $0x3960  }
0x67: {  	[tilespmem:s16], [sflag:$0x1] =	stream.indirect.gather [hbm4b:s3+s9], $0x1, s15, s9, $0xb8;
	[tilespmem:$0x1DE00] =	vst v63  }
0x68: {  	s13 =	simm.s32 $0x20B0;
	s14 =	simm.s32 $0x39B0  }
0x69: {  	[tilespmem:s14], [sflag:$0x1] =	stream.indirect.gather [hbm4b:s3+s9], $0x1, s13, s9, $0xb8;
	[tilespmem:$0x1DE00] =	vst v63  }
0x6a: {  	s15 =	simm.s32 $0x2100;
	s16 =	simm.s32 $0x3A00  }
0x6b: {  	[tilespmem:s16], [sflag:$0x1] =	stream.indirect.gather [hbm4b:s3+s9], $0x1, s15, s9, $0xb8;
	[tilespmem:$0x1DE00] =	vst v63  }
0x6c: {  	s13 =	simm.s32 $0x2150;
	s14 =	simm.s32 $0x3A50  }
0x6d: {  	[tilespmem:s14], [sflag:$0x1] =	stream.indirect.gather [hbm4b:s3+s9], $0x1, s13, s9, $0xb8;
	[tilespmem:$0x1DE00] =	vst v63  }
0x6e: {  	s15 =	simm.s32 $0x21A0;
	s16 =	simm.s32 $0x3AA0  }
0x6f: {  	[tilespmem:s16], [sflag:$0x1] =	stream.indirect.gather [hbm4b:s3+s9], $0x1, s15, s9, $0xb8;
	[tilespmem:$0x1DE00] =	vst v63  }
0x70: {  	s13 =	simm.s32 $0x21F0;
	s14 =	simm.s32 $0x3AF0  }
0x71: {  	[tilespmem:s14], [sflag:$0x1] =	stream.indirect.gather [hbm4b:s3+s9], $0x1, s13, s9, $0xb8;
	[tilespmem:$0x1DE00] =	vst v63  }
0x72: {  	s15 =	simm.s32 $0x4E00  }
0x73: {  	[tilespmem:s15], [sflag:$0x2] =	stream.indirect.gather [hbm4b:s4+s9], $0x20, s1, s9, $0xb8;
	[tilespmem:$0x1DE00] =	vst v63  }
0x74: {  	s16 =	simm.s32 $0x5800  }
0x75: {  	[tilespmem:s16], [sflag:$0x2] =	stream.indirect.gather [hbm4b:s4+s9], $0x20, s10, s9, $0xb8;
	[tilespmem:$0x1DE00] =	vst v63  }
0x76: {  	s1 =	simm.s32 $0x6200  }
0x77: {  	[tilespmem:s1], [sflag:$0x2] =	stream.indirect.gather [hbm4b:s4+s9], $0x20, s11, s9, $0xb8;
	[tilespmem:$0x1DE00] =	vst v63  }
0x78: {  	s10 =	simm.s32 $0x6C00  }
0x79: {  	[tilespmem:s10], [sflag:$0x2] =	stream.indirect.gather [hbm4b:s4+s9], $0x20, s17, s9, $0xb8;
	[tilespmem:$0x1DE00] =	vst v63  }
0x7a: {  	s11 =	simm.s32 $0x7600  }
0x7b: {  	[tilespmem:s11], [sflag:$0x2] =	stream.indirect.gather [hbm4b:s4+s9], $0x20, s19, s9, $0xb8;
	[tilespmem:$0x1DE00] =	vst v63  }
0x7c: {  	s12 =	simm.s32 $0x8000  }
0x7d: {  	[tilespmem:s12], [sflag:$0x2] =	stream.indirect.gather [hbm4b:s4+s9], $0x20, s21, s9, $0xb8;
	[tilespmem:$0x1DE00] =	vst v63  }
0x7e: {  	s13 =	simm.s32 $0x8A00  }
0x7f: {  	[tilespmem:s13], [sflag:$0x2] =	stream.indirect.gather [hbm4b:s4+s9], $0x20, s23, s9, $0xb8;
	[tilespmem:$0x1DE00] =	vst v63  }
0x80: {  	s14 =	simm.s32 $0x9400  }
0x81: {  	[tilespmem:s14], [sflag:$0x2] =	stream.indirect.gather [hbm4b:s4+s9], $0x20, s25, s9, $0xb8;
	[tilespmem:$0x1DE00] =	vst v63  }
0x82: {  	s15 =	simm.s32 $0x9E00  }
0x83: {  	[tilespmem:s15], [sflag:$0x2] =	stream.indirect.gather [hbm4b:s4+s9], $0x20, s28, s9, $0xb8;
	[tilespmem:$0x1DE00] =	vst v63  }
0x84: {  	s29 =	simm.s32 $0x0;
	s16 =	simm.s32 $0xA800  }
0x85: {  	[tilespmem:s16], [sflag:$0x2] =	stream.indirect.gather [hbm4b:s4+s9], $0x20, s30, s9, $0xb8;
	[tilespmem:$0x1DE00] =	vst v63  }
.LBB2_5:
0x86: {  	p0 =	seq.s32 s29, $0x7  }
.Ltmp1:
0x87: {  	_ = 	snop;
	(pc) =	sbr.rel @p0 .LBB2_7-.Ltmp1, $2  }
0x88: {  	_ =	sdelay $0x2  }
0x89: {  	s1 =	sadd.s32 $0x1, s29  }
0x8a: {  	p0 =	sgt.u32 s29, $0x5  }
0x8b: {  	_ =	swait.ge [sflag:s31], $0x320;
	s0 =	smul.u32 @!p0 $0x320, s29  }
0x8c: {  	[sflag:s31] =	ssyncset.done $0x0;
	s12 =	simm.s32 @!p0 $0x50  }
0x8d: {  	[sflag:s31] =	ssyncadd.s32 $0xFFFFFCE0;
	s10 =	sadd.s32 @!p0 $0x3B40, s0;
	s11 =	sadd.s32 @!p0 $0x2240, s0  }
0x8e: {  	[tilespmem:s10], [sflag:$0x1] =	stream.indirect.gather @!p0 [hbm4b:s3+s12], $0x1, s11, s12, $0xb8;
	[tilespmem:$0x1DE00] =	vst v63  }
0x8f: {  	s10 =	sadd.s32 @!p0 $0x3B90, s0;
	s11 =	sadd.s32 @!p0 $0x2290, s0  }
0x90: {  	[tilespmem:s10], [sflag:$0x1] =	stream.indirect.gather @!p0 [hbm4b:s3+s12], $0x1, s11, s12, $0xb8;
	[tilespmem:$0x1DE00] =	vst v63  }
0x91: {  	s10 =	sadd.s32 @!p0 $0x3BE0, s0;
	s11 =	sadd.s32 @!p0 $0x22E0, s0  }
0x92: {  	[tilespmem:s10], [sflag:$0x1] =	stream.indirect.gather @!p0 [hbm4b:s3+s12], $0x1, s11, s12, $0xb8;
	[tilespmem:$0x1DE00] =	vst v63  }
0x93: {  	s10 =	sadd.s32 @!p0 $0x3C30, s0;
	s11 =	sadd.s32 @!p0 $0x2330, s0  }
0x94: {  	[tilespmem:s10], [sflag:$0x1] =	stream.indirect.gather @!p0 [hbm4b:s3+s12], $0x1, s11, s12, $0xb8;
	[tilespmem:$0x1DE00] =	vst v63  }
0x95: {  	s10 =	sadd.s32 @!p0 $0x3C80, s0;
	s11 =	sadd.s32 @!p0 $0x2380, s0  }
0x96: {  	[tilespmem:s10], [sflag:$0x1] =	stream.indirect.gather @!p0 [hbm4b:s3+s12], $0x1, s11, s12, $0xb8;
	[tilespmem:$0x1DE00] =	vst v63  }
0x97: {  	s10 =	sadd.s32 @!p0 $0x3CD0, s0;
	s11 =	sadd.s32 @!p0 $0x23D0, s0  }
0x98: {  	[tilespmem:s10], [sflag:$0x1] =	stream.indirect.gather @!p0 [hbm4b:s3+s12], $0x1, s11, s12, $0xb8;
	[tilespmem:$0x1DE00] =	vst v63  }
0x99: {  	s10 =	sadd.s32 @!p0 $0x3D20, s0;
	s11 =	sadd.s32 @!p0 $0x2420, s0  }
0x9a: {  	[tilespmem:s10], [sflag:$0x1] =	stream.indirect.gather @!p0 [hbm4b:s3+s12], $0x1, s11, s12, $0xb8;
	[tilespmem:$0x1DE00] =	vst v63  }
0x9b: {  	s10 =	sadd.s32 @!p0 $0x3D70, s0;
	s11 =	sadd.s32 @!p0 $0x2470, s0  }
0x9c: {  	[tilespmem:s10], [sflag:$0x1] =	stream.indirect.gather @!p0 [hbm4b:s3+s12], $0x1, s11, s12, $0xb8;
	[tilespmem:$0x1DE00] =	vst v63  }
0x9d: {  	s13 =	sand.u32 $0x1, s1;
	s10 =	sadd.s32 @!p0 $0x3DC0, s0;
	s11 =	sadd.s32 @!p0 $0x24C0, s0  }
0x9e: {  	[tilespmem:s10], [sflag:$0x1] =	stream.indirect.gather @!p0 [hbm4b:s3+s12], $0x1, s11, s12, $0xb8;
	[tilespmem:$0x1DE00] =	vst v63  }
0x9f: {  	s14 =	smul.u32 $0xC80, s1;
	s10 =	sadd.s32 @!p0 $0x3E10, s0;
	s0 =	sadd.s32 @!p0 $0x2510, s0  }
0xa0: {  	[tilespmem:s10], [sflag:$0x1] =	stream.indirect.gather @!p0 [hbm4b:s3+s12], $0x1, s0, s12, $0xb8;
	[tilespmem:$0x1DE00] =	vst v63  }
0xa1: {  	p0 =	seq.s32 s13, $0x1;
	s0 =	simm.s32 $0x6400  }
0xa2: {  	s10 =	sshra.s32 s14, $0x2;
	s0 =	simm.s32 @!p0 $0x0  }
0xa3: {  	s16 =	sadd.s32 $0x3500, s10;
	s15 =	sadd.s32 $0x4E00, s0  }
0xa4: {  	[tilespmem:s15], [sflag:$0x2] =	stream.indirect.gather [hbm4b:s4+s9], $0x20, s16, s9, $0xb8;
	[tilespmem:$0x1DE00] =	vst v63  }
0xa5: {  	s14 =	sadd.s32 $0x3550, s10;
	s13 =	sadd.s32 $0x5800, s0  }
0xa6: {  	[tilespmem:s13], [sflag:$0x2] =	stream.indirect.gather [hbm4b:s4+s9], $0x20, s14, s9, $0xb8;
	[tilespmem:$0x1DE00] =	vst v63  }
0xa7: {  	s15 =	sadd.s32 $0x6200, s0;
	s16 =	sadd.s32 $0x35A0, s10  }
0xa8: {  	[tilespmem:s15], [sflag:$0x2] =	stream.indirect.gather [hbm4b:s4+s9], $0x20, s16, s9, $0xb8;
	[tilespmem:$0x1DE00] =	vst v63  }
0xa9: {  	s13 =	sadd.s32 $0x6C00, s0;
	s14 =	sadd.s32 $0x35F0, s10  }
0xaa: {  	[tilespmem:s13], [sflag:$0x2] =	stream.indirect.gather [hbm4b:s4+s9], $0x20, s14, s9, $0xb8;
	[tilespmem:$0x1DE00] =	vst v63  }
0xab: {  	s15 =	sadd.s32 $0x7600, s0;
	s16 =	sadd.s32 $0x3640, s10  }
0xac: {  	[tilespmem:s15], [sflag:$0x2] =	stream.indirect.gather [hbm4b:s4+s9], $0x20, s16, s9, $0xb8;
	[tilespmem:$0x1DE00] =	vst v63  }
0xad: {  	s13 =	sor.u32 $0x8000, s0;
	s14 =	sadd.s32 $0x3690, s10  }
0xae: {  	[tilespmem:s13], [sflag:$0x2] =	stream.indirect.gather [hbm4b:s4+s9], $0x20, s14, s9, $0xb8;
	[tilespmem:$0x1DE00] =	vst v63  }
0xaf: {  	s15 =	sor.u32 $0x8A00, s0;
	s16 =	sadd.s32 $0x36E0, s10  }
0xb0: {  	[tilespmem:s15], [sflag:$0x2] =	stream.indirect.gather [hbm4b:s4+s9], $0x20, s16, s9, $0xb8;
	[tilespmem:$0x1DE00] =	vst v63  }
0xb1: {  	s13 =	sadd.s32 $0x9400, s0;
	s14 =	sadd.s32 $0x3730, s10  }
0xb2: {  	[tilespmem:s13], [sflag:$0x2] =	stream.indirect.gather [hbm4b:s4+s9], $0x20, s14, s9, $0xb8;
	[tilespmem:$0x1DE00] =	vst v63  }
0xb3: {  	s15 =	sadd.s32 $0x9E00, s0;
	s16 =	sadd.s32 $0x3780, s10  }
0xb4: {  	[tilespmem:s15], [sflag:$0x2] =	stream.indirect.gather [hbm4b:s4+s9], $0x20, s16, s9, $0xb8;
	[tilespmem:$0x1DE00] =	vst v63  }
0xb5: {  	s0 =	sadd.s32 $0xA800, s0;
	s10 =	sadd.s32 $0x37D0, s10  }
0xb6: {  	[tilespmem:s0], [sflag:$0x2] =	stream.indirect.gather [hbm4b:s4+s9], $0x20, s10, s9, $0xb8;
	[tilespmem:$0x1DE00] =	vst v63  }
.LBB2_7:
0xb7: {  	s0 =	simm.s32 $0x1  }
0xb8: {  	v3 =	vmov s0  }
0xb9: {  	_ =	swait.ge [sflag:s18], $0x6400;
	v3 =	vshll.u32 v3, $0x5  }
0xba: {  	s15 =	sand.u32 $0x1, s29;
	p0 =	slt.u32 s29, $0x2;
	[sflag:s18] =	ssyncset.done $0x0;
	v9 =	vadd.s32 v2, v3  }
0xbb: {  	s11 =	simm.s32 $0x6400;
	s10 =	simm.s32 @!p0 $0x3;
	[sflag:s18] =	ssyncadd.s32 $0xFFFF9C00  }
0xbc: {  	s16 =	simm.s32 $0x0;
	p1 =	seq.s32 s15, $0x1;
	_ =	swait.ge @!p0 [sflag:s10], $0x6400  }
0xbd: {  	s11 =	simm.s32 @!p1 $0x0;
	v3 =	vmov s16;
	[sflag:s10] =	ssyncset.done @!p0 $0x0  }
0xbe: {  	s0 =	sadd.s32 $0x4E00, s11;
	v3 =	vshll.u32 v3, $0x5;
	[sflag:s10] =	ssyncadd.s32 @!p0 $0xFFFF9C00  }
0xbf: {  	v10 =	vadd.s32 v2, v3;
	v3 =	vld.idx.msk [tilespmem:v9+s0+$0x0], $0xffff  }
0xc0: {  	v4 =	vor.u32 $0x1, v9;
	_ =	sdelay $0x2  }
0xc1: {  	s14 =	sadd.s32 $0x11800, s11  }
0xc2: {  	v5 =	vld.idx.msk [tilespmem:v10+s0+$0x0], $0xffff;
	[tilespmem:s14+$0x0] =	vst v3  }
0xc3: {  	v3 =	vor.u32 $0x1, v10;
	v4 =	vld.idx.msk [tilespmem:v4+s0+$0x0], $0xffff  }
0xc4: {  	v6 =	vor.u32 $0x2, v9;
	_ =	sdelay $0x2  }
0xc5: {  	[tilespmem:s14+$0xFFFFFE00] =	vst v5  }
0xc6: {  	v3 =	vld.idx.msk [tilespmem:v3+s0+$0x0], $0xffff;
	[tilespmem:s14+$0x10] =	vst v4  }
0xc7: {  	v4 =	vor.u32 $0x2, v10;
	v5 =	vld.idx.msk [tilespmem:v6+s0+$0x0], $0xffff  }
0xc8: {  	v6 =	vor.u32 $0x3, v9;
	_ =	sdelay $0x2  }
0xc9: {  	[tilespmem:s14+$0xFFFFFE10] =	vst v3  }
0xca: {  	v3 =	vld.idx.msk [tilespmem:v4+s0+$0x0], $0xffff;
	[tilespmem:s14+$0x20] =	vst v5  }
0xcb: {  	v4 =	vor.u32 $0x3, v10;
	v5 =	vld.idx.msk [tilespmem:v6+s0+$0x0], $0xffff  }
0xcc: {  	v6 =	vor.u32 $0x4, v9;
	_ =	sdelay $0x2  }
0xcd: {  	[tilespmem:s14+$0xFFFFFE20] =	vst v3  }
0xce: {  	v3 =	vld.idx.msk [tilespmem:v4+s0+$0x0], $0xffff;
	[tilespmem:s14+$0x30] =	vst v5  }
0xcf: {  	v4 =	vor.u32 $0x4, v10;
	v5 =	vld.idx.msk [tilespmem:v6+s0+$0x0], $0xffff  }
0xd0: {  	v6 =	vor.u32 $0x5, v9;
	_ =	sdelay $0x2  }
0xd1: {  	[tilespmem:s14+$0xFFFFFE30] =	vst v3  }
0xd2: {  	v3 =	vld.idx.msk [tilespmem:v4+s0+$0x0], $0xffff;
	[tilespmem:s14+$0x40] =	vst v5  }
0xd3: {  	v4 =	vor.u32 $0x5, v10;
	v5 =	vld.idx.msk [tilespmem:v6+s0+$0x0], $0xffff  }
0xd4: {  	v6 =	vor.u32 $0x6, v9;
	_ =	sdelay $0x2  }
0xd5: {  	[tilespmem:s14+$0xFFFFFE40] =	vst v3  }
0xd6: {  	v3 =	vld.idx.msk [tilespmem:v4+s0+$0x0], $0xffff;
	[tilespmem:s14+$0x50] =	vst v5  }
0xd7: {  	v4 =	vor.u32 $0x6, v10;
	v5 =	vld.idx.msk [tilespmem:v6+s0+$0x0], $0xffff  }
0xd8: {  	v6 =	vor.u32 $0x7, v9;
	_ =	sdelay $0x2  }
0xd9: {  	[tilespmem:s14+$0xFFFFFE50] =	vst v3  }
0xda: {  	v3 =	vld.idx.msk [tilespmem:v4+s0+$0x0], $0xffff;
	[tilespmem:s14+$0x60] =	vst v5  }
0xdb: {  	v4 =	vor.u32 $0x7, v10;
	v5 =	vld.idx.msk [tilespmem:v6+s0+$0x0], $0xffff  }
0xdc: {  	v6 =	vor.u32 $0x8, v9;
	_ =	sdelay $0x2  }
0xdd: {  	[tilespmem:s14+$0xFFFFFE60] =	vst v3  }
0xde: {  	s12 =	simm.s32 $0x3;
	v3 =	vld.idx.msk [tilespmem:v4+s0+$0x0], $0xffff;
	[tilespmem:s14+$0x70] =	vst v5  }
0xdf: {  	v4 =	vor.u32 $0x8, v10;
	v5 =	vld.idx.msk [tilespmem:v6+s0+$0x0], $0xffff;
	v6 =	vmov s12  }
0xe0: {  	v8 =	vor.u32 $0x9, v9;
	v6 =	vshll.u32 v6, $0x5  }
0xe1: {  	s13 =	simm.s32 $0x2;
	v7 =	vadd.s32 v2, v6  }
0xe2: {  	v6 =	vmov s13  }
0xe3: {  	v6 =	vshll.u32 v6, $0x5;
	[tilespmem:s14+$0xFFFFFE70] =	vst v3  }
0xe4: {  	v3 =	vadd.s32 v2, v6;
	v4 =	vld.idx.msk [tilespmem:v4+s0+$0x0], $0xffff;
	[tilespmem:s14+$0x80] =	vst v5  }
0xe5: {  	v5 =	vor.u32 $0x9, v10;
	v6 =	vld.idx.msk [tilespmem:v8+s0+$0x0], $0xffff  }
0xe6: {  	v11 =	vor.u32 $0xA, v9;
	v8 =	vld.idx.msk [tilespmem:v7+s0+$0x0], $0xffff  }
0xe7: {  	v12 =	vor.u32 $0x1, v7;
	_ =	sdelay $0x1  }
0xe8: {  	v13 =	vld.idx.msk [tilespmem:v3+s0+$0x0], $0xffff;
	[tilespmem:s14+$0xFFFFFE80] =	vst v4  }
0xe9: {  	s10 =	sadd.s32 $0x400, s14;
	v4 =	vld.idx.msk [tilespmem:v5+s0+$0x0], $0xffff;
	v5 =	vor.u32 $0x1, v3;
	[tilespmem:s14+$0x90] =	vst v6  }
0xea: {  	v6 =	vor.u32 $0xA, v10;
	[tilespmem:s10+$0x0] =	vst v8;
	v8 =	vld.idx.msk [tilespmem:v11+s0+$0x0], $0xffff  }
0xeb: {  	v11 =	vld.idx.msk [tilespmem:v12+s0+$0x0], $0xffff;
	v12 =	vor.u32 $0xB, v9  }
0xec: {  	v14 =	vor.u32 $0x2, v7  }
0xed: {  	[tilespmem:s10+$0xFFFFFE00] =	vst v13  }
0xee: {  	v5 =	vld.idx.msk [tilespmem:v5+s0+$0x0], $0xffff;
	[tilespmem:s14+$0xFFFFFE90] =	vst v4  }
0xef: {  	v4 =	vld.idx.msk [tilespmem:v6+s0+$0x0], $0xffff;
	v6 =	vor.u32 $0x2, v3;
	[tilespmem:s14+$0xA0] =	vst v8  }
0xf0: {  	v8 =	vor.u32 $0xB, v10;
	[tilespmem:s10+$0x10] =	vst v11;
	v11 =	vld.idx.msk [tilespmem:v12+s0+$0x0], $0xffff  }
0xf1: {  	v13 =	vor.u32 $0xC, v9;
	v12 =	vld.idx.msk [tilespmem:v14+s0+$0x0], $0xffff  }
0xf2: {  	v14 =	vor.u32 $0x3, v7  }
0xf3: {  	[tilespmem:s10+$0xFFFFFE10] =	vst v5  }
0xf4: {  	v5 =	vld.idx.msk [tilespmem:v6+s0+$0x0], $0xffff;
	[tilespmem:s14+$0xFFFFFEA0] =	vst v4  }
0xf5: {  	v6 =	vor.u32 $0x3, v3;
	v4 =	vld.idx.msk [tilespmem:v8+s0+$0x0], $0xffff;
	[tilespmem:s14+$0xB0] =	vst v11  }
0xf6: {  	v8 =	vor.u32 $0xC, v10;
	[tilespmem:s10+$0x20] =	vst v12;
	v11 =	vld.idx.msk [tilespmem:v13+s0+$0x0], $0xffff  }
0xf7: {  	v13 =	vor.u32 $0xD, v9;
	v12 =	vld.idx.msk [tilespmem:v14+s0+$0x0], $0xffff  }
0xf8: {  	v14 =	vor.u32 $0x4, v7  }
0xf9: {  	[tilespmem:s10+$0xFFFFFE20] =	vst v5  }
0xfa: {  	v5 =	vld.idx.msk [tilespmem:v6+s0+$0x0], $0xffff;
	[tilespmem:s14+$0xFFFFFEB0] =	vst v4  }
0xfb: {  	v6 =	vor.u32 $0x4, v3;
	v4 =	vld.idx.msk [tilespmem:v8+s0+$0x0], $0xffff;
	[tilespmem:s14+$0xC0] =	vst v11  }
0xfc: {  	v8 =	vor.u32 $0xD, v10;
	[tilespmem:s10+$0x30] =	vst v12;
	v11 =	vld.idx.msk [tilespmem:v13+s0+$0x0], $0xffff  }
0xfd: {  	v13 =	vor.u32 $0xE, v9;
	v12 =	vld.idx.msk [tilespmem:v14+s0+$0x0], $0xffff  }
0xfe: {  	v14 =	vor.u32 $0x5, v7  }
0xff: {  	[tilespmem:s10+$0xFFFFFE30] =	vst v5  }
0x100: {  	v5 =	vld.idx.msk [tilespmem:v6+s0+$0x0], $0xffff;
	[tilespmem:s14+$0xFFFFFEC0] =	vst v4  }
0x101: {  	v6 =	vor.u32 $0x5, v3;
	v4 =	vld.idx.msk [tilespmem:v8+s0+$0x0], $0xffff;
	[tilespmem:s14+$0xD0] =	vst v11  }
0x102: {  	v8 =	vor.u32 $0xE, v10;
	[tilespmem:s10+$0x40] =	vst v12;
	v11 =	vld.idx.msk [tilespmem:v13+s0+$0x0], $0xffff  }
0x103: {  	v13 =	vor.u32 $0xF, v9;
	v12 =	vld.idx.msk [tilespmem:v14+s0+$0x0], $0xffff  }
0x104: {  	v14 =	vor.u32 $0x6, v7  }
0x105: {  	[tilespmem:s10+$0xFFFFFE40] =	vst v5  }
0x106: {  	v5 =	vld.idx.msk [tilespmem:v6+s0+$0x0], $0xffff;
	[tilespmem:s14+$0xFFFFFED0] =	vst v4  }
0x107: {  	v6 =	vor.u32 $0x6, v3;
	v4 =	vld.idx.msk [tilespmem:v8+s0+$0x0], $0xffff;
	[tilespmem:s14+$0xE0] =	vst v11  }
0x108: {  	v8 =	vor.u32 $0xF, v10;
	[tilespmem:s10+$0x50] =	vst v12;
	v11 =	vld.idx.msk [tilespmem:v13+s0+$0x0], $0xffff  }
0x109: {  	v13 =	vor.u32 $0x10, v9;
	v12 =	vld.idx.msk [tilespmem:v14+s0+$0x0], $0xffff  }
0x10a: {  	v14 =	vor.u32 $0x7, v7  }
0x10b: {  	[tilespmem:s10+$0xFFFFFE50] =	vst v5  }
0x10c: {  	v5 =	vld.idx.msk [tilespmem:v6+s0+$0x0], $0xffff;
	[tilespmem:s14+$0xFFFFFEE0] =	vst v4  }
0x10d: {  	v6 =	vor.u32 $0x7, v3;
	v4 =	vld.idx.msk [tilespmem:v8+s0+$0x0], $0xffff;
	[tilespmem:s14+$0xF0] =	vst v11  }
0x10e: {  	v8 =	vor.u32 $0x10, v10;
	[tilespmem:s10+$0x60] =	vst v12;
	v11 =	vld.idx.msk [tilespmem:v13+s0+$0x0], $0xffff  }
0x10f: {  	v13 =	vor.u32 $0x11, v9;
	v12 =	vld.idx.msk [tilespmem:v14+s0+$0x0], $0xffff  }
0x110: {  	v14 =	vor.u32 $0x8, v7  }
0x111: {  	[tilespmem:s10+$0xFFFFFE60] =	vst v5  }
0x112: {  	v5 =	vld.idx.msk [tilespmem:v6+s0+$0x0], $0xffff;
	[tilespmem:s14+$0xFFFFFEF0] =	vst v4  }
0x113: {  	v6 =	vld.idx.msk [tilespmem:v8+s0+$0x0], $0xffff;
	v8 =	vor.u32 $0x8, v3;
	[tilespmem:s14+$0x100] =	vst v11  }
0x114: {  	s12 =	simm.s32 $0x5;
	v11 =	vor.u32 $0x11, v10;
	[tilespmem:s10+$0x70] =	vst v12;
	v12 =	vld.idx.msk [tilespmem:v13+s0+$0x0], $0xffff  }
0x115: {  	s13 =	simm.s32 $0x4;
	v4 =	vmov s12;
	v13 =	vld.idx.msk [tilespmem:v14+s0+$0x0], $0xffff;
	v14 =	vor.u32 $0x12, v9  }
0x116: {  	v15 =	vmov s13;
	v16 =	vor.u32 $0x9, v7;
	v4 =	vshll.u32 v4, $0x5  }
0x117: {  	v15 =	vshll.u32 v15, $0x5;
	[tilespmem:s10+$0xFFFFFE70] =	vst v5;
	v5 =	vadd.s32 v2, v4  }
0x118: {  	v4 =	vadd.s32 v2, v15;
	v8 =	vld.idx.msk [tilespmem:v8+s0+$0x0], $0xffff;
	[tilespmem:s14+$0xFFFFFF00] =	vst v6  }
0x119: {  	v6 =	vld.idx.msk [tilespmem:v11+s0+$0x0], $0xffff;
	v11 =	vor.u32 $0x9, v3;
	[tilespmem:s14+$0x110] =	vst v12  }
0x11a: {  	v12 =	vor.u32 $0x12, v10;
	[tilespmem:s10+$0x80] =	vst v13;
	v13 =	vld.idx.msk [tilespmem:v14+s0+$0x0], $0xffff  }
0x11b: {  	v15 =	vor.u32 $0x13, v9;
	v14 =	vld.idx.msk [tilespmem:v16+s0+$0x0], $0xffff  }
0x11c: {  	v17 =	vor.u32 $0xA, v7;
	v16 =	vld.idx.msk [tilespmem:v5+s0+$0x0], $0xffff  }
0x11d: {  	v18 =	vld.idx.msk [tilespmem:v4+s0+$0x0], $0xffff;
	[tilespmem:s10+$0xFFFFFE80] =	vst v8;
	v8 =	vor.u32 $0x1, v5  }
0x11e: {  	[tilespmem:s14+$0xFFFFFF10] =	vst v6;
	v6 =	vld.idx.msk [tilespmem:v11+s0+$0x0], $0xffff;
	v11 =	vor.u32 $0x1, v4  }
0x11f: {  	v19 =	vor.u32 $0xA, v3;
	v12 =	vld.idx.msk [tilespmem:v12+s0+$0x0], $0xffff;
	[tilespmem:s14+$0x120] =	vst v13  }
0x120: {  	s12 =	sadd.s32 $0x400, s10;
	v13 =	vor.u32 $0x13, v10;
	[tilespmem:s10+$0x90] =	vst v14;
	v14 =	vld.idx.msk [tilespmem:v15+s0+$0x0], $0xffff  }
0x121: {  	[tilespmem:s12+$0x0] =	vst v16;
	v16 =	vor.u32 $0x14, v9;
	v15 =	vld.idx.msk [tilespmem:v17+s0+$0x0], $0xffff  }
0x122: {  	[tilespmem:s12+$0xFFFFFE00] =	vst v18;
	v8 =	vld.idx.msk [tilespmem:v8+s0+$0x0], $0xffff;
	v17 =	vor.u32 $0xB, v7  }
0x123: {  	v11 =	vld.idx.msk [tilespmem:v11+s0+$0x0], $0xffff;
	[tilespmem:s10+$0xFFFFFE90] =	vst v6;
	v6 =	vor.u32 $0x2, v5  }
0x124: {  	v18 =	vld.idx.msk [tilespmem:v19+s0+$0x0], $0xffff;
	[tilespmem:s14+$0xFFFFFF20] =	vst v12;
	v12 =	vor.u32 $0x2, v4  }
0x125: {  	v19 =	vor.u32 $0xB, v3;
	v13 =	vld.idx.msk [tilespmem:v13+s0+$0x0], $0xffff;
	[tilespmem:s14+$0x130] =	vst v14  }
0x126: {  	v14 =	vor.u32 $0x14, v10;
	[tilespmem:s10+$0xA0] =	vst v15;
	v15 =	vld.idx.msk [tilespmem:v16+s0+$0x0], $0xffff  }
0x127: {  	[tilespmem:s12+$0x10] =	vst v8;
	v16 =	vor.u32 $0x15, v9;
	v8 =	vld.idx.msk [tilespmem:v17+s0+$0x0], $0xffff  }
0x128: {  	[tilespmem:s12+$0xFFFFFE10] =	vst v11;
	v6 =	vld.idx.msk [tilespmem:v6+s0+$0x0], $0xffff;
	v11 =	vor.u32 $0xC, v7  }
0x129: {  	v17 =	vor.u32 $0x3, v5;
	v12 =	vld.idx.msk [tilespmem:v12+s0+$0x0], $0xffff;
	[tilespmem:s10+$0xFFFFFEA0] =	vst v18  }
0x12a: {  	v18 =	vld.idx.msk [tilespmem:v19+s0+$0x0], $0xffff;
	[tilespmem:s14+$0xFFFFFF30] =	vst v13;
	v13 =	vor.u32 $0x3, v4  }
0x12b: {  	v19 =	vor.u32 $0xC, v3;
	v14 =	vld.idx.msk [tilespmem:v14+s0+$0x0], $0xffff;
	[tilespmem:s14+$0x140] =	vst v15  }
0x12c: {  	[tilespmem:s10+$0xB0] =	vst v8;
	v8 =	vor.u32 $0x15, v10;
	v15 =	vld.idx.msk [tilespmem:v16+s0+$0x0], $0xffff  }
0x12d: {  	[tilespmem:s12+$0x20] =	vst v6;
	v6 =	vld.idx.msk [tilespmem:v11+s0+$0x0], $0xffff;
	v11 =	vor.u32 $0x16, v9  }
0x12e: {  	v16 =	vor.u32 $0xD, v7;
	[tilespmem:s12+$0xFFFFFE20] =	vst v12;
	v12 =	vld.idx.msk [tilespmem:v17+s0+$0x0], $0xffff  }
0x12f: {  	v17 =	vor.u32 $0x4, v5;
	v13 =	vld.idx.msk [tilespmem:v13+s0+$0x0], $0xffff;
	[tilespmem:s10+$0xFFFFFEB0] =	vst v18  }
0x130: {  	s15 =	simm.s32 $0x6;
	v18 =	vld.idx.msk [tilespmem:v19+s0+$0x0], $0xffff;
	[tilespmem:s14+$0xFFFFFF40] =	vst v14;
	v14 =	vor.u32 $0x4, v4  }
0x131: {  	v20 =	vor.u32 $0xD, v3;
	v19 =	vmov s15;
	v8 =	vld.idx.msk [tilespmem:v8+s0+$0x0], $0xffff;
	[tilespmem:s14+$0x150] =	vst v15  }
0x132: {  	v15 =	vshll.u32 v19, $0x5;
	v19 =	vor.u32 $0x16, v10;
	[tilespmem:s10+$0xC0] =	vst v6;
	v11 =	vld.idx.msk [tilespmem:v11+s0+$0x0], $0xffff  }
0x133: {  	v6 =	vadd.s32 v2, v15;
	[tilespmem:s12+$0x30] =	vst v12;
	v15 =	vor.u32 $0x17, v9;
	v12 =	vld.idx.msk [tilespmem:v16+s0+$0x0], $0xffff  }
0x134: {  	[tilespmem:s12+$0xFFFFFE30] =	vst v13;
	v13 =	vld.idx.msk [tilespmem:v17+s0+$0x0], $0xffff;
	v16 =	vor.u32 $0xE, v7  }
0x135: {  	v17 =	vor.u32 $0x5, v5;
	v14 =	vld.idx.msk [tilespmem:v14+s0+$0x0], $0xffff;
	[tilespmem:s10+$0xFFFFFEC0] =	vst v18  }
0x136: {  	v18 =	vld.idx.msk [tilespmem:v20+s0+$0x0], $0xffff;
	[tilespmem:s14+$0xFFFFFF50] =	vst v8;
	v8 =	vor.u32 $0x5, v4  }
0x137: {  	v21 =	vor.u32 $0xE, v3;
	v19 =	vld.idx.msk [tilespmem:v19+s0+$0x0], $0xffff;
	[tilespmem:s14+$0x160] =	vst v11  }
0x138: {  	v11 =	vor.u32 $0x17, v10;
	[tilespmem:s10+$0xD0] =	vst v12;
	v12 =	vld.idx.msk [tilespmem:v15+s0+$0x0], $0xffff  }
0x139: {  	[tilespmem:s12+$0x40] =	vst v13;
	v15 =	vor.u32 $0x18, v9;
	v13 =	vld.idx.msk [tilespmem:v16+s0+$0x0], $0xffff  }
0x13a: {  	[tilespmem:s12+$0xFFFFFE40] =	vst v14;
	v14 =	vld.idx.msk [tilespmem:v17+s0+$0x0], $0xffff;
	v16 =	vor.u32 $0xF, v7  }
0x13b: {  	v17 =	vor.u32 $0x6, v5;
	[tilespmem:s10+$0xFFFFFED0] =	vst v18;
	v8 =	vld.idx.msk [tilespmem:v8+s0+$0x0], $0xffff  }
0x13c: {  	v18 =	vld.idx.msk [tilespmem:v21+s0+$0x0], $0xffff;
	[tilespmem:s14+$0xFFFFFF60] =	vst v19;
	v19 =	vor.u32 $0x6, v4  }
0x13d: {  	v21 =	vor.u32 $0xF, v3;
	v11 =	vld.idx.msk [tilespmem:v11+s0+$0x0], $0xffff;
	[tilespmem:s14+$0x170] =	vst v12  }
0x13e: {  	v12 =	vor.u32 $0x18, v10;
	[tilespmem:s10+$0xE0] =	vst v13;
	v13 =	vld.idx.msk [tilespmem:v15+s0+$0x0], $0xffff  }
0x13f: {  	[tilespmem:s12+$0x50] =	vst v14;
	v15 =	vor.u32 $0x19, v9;
	v14 =	vld.idx.msk [tilespmem:v16+s0+$0x0], $0xffff  }
0x140: {  	v16 =	vor.u32 $0x10, v7;
	[tilespmem:s12+$0xFFFFFE50] =	vst v8;
	v8 =	vld.idx.msk [tilespmem:v17+s0+$0x0], $0xffff  }
0x141: {  	[tilespmem:s10+$0xFFFFFEE0] =	vst v18;
	v18 =	vor.u32 $0x7, v5;
	v17 =	vld.idx.msk [tilespmem:v19+s0+$0x0], $0xffff  }
0x142: {  	v19 =	vld.idx.msk [tilespmem:v21+s0+$0x0], $0xffff;
	[tilespmem:s14+$0xFFFFFF70] =	vst v11;
	v11 =	vor.u32 $0x7, v4  }
0x143: {  	v21 =	vor.u32 $0x10, v3;
	v12 =	vld.idx.msk [tilespmem:v12+s0+$0x0], $0xffff;
	[tilespmem:s14+$0x180] =	vst v13  }
0x144: {  	v13 =	vor.u32 $0x19, v10;
	[tilespmem:s10+$0xF0] =	vst v14;
	v14 =	vld.idx.msk [tilespmem:v15+s0+$0x0], $0xffff  }
0x145: {  	v15 =	vor.u32 $0x1A, v9;
	[tilespmem:s12+$0x60] =	vst v8;
	v8 =	vld.idx.msk [tilespmem:v16+s0+$0x0], $0xffff  }
0x146: {  	[tilespmem:s12+$0xFFFFFE60] =	vst v17;
	v16 =	vld.idx.msk [tilespmem:v18+s0+$0x0], $0xffff;
	v17 =	vor.u32 $0x11, v7  }
0x147: {  	[tilespmem:s10+$0xFFFFFEF0] =	vst v19;
	v18 =	vor.u32 $0x8, v5;
	v11 =	vld.idx.msk [tilespmem:v11+s0+$0x0], $0xffff  }
0x148: {  	v19 =	vld.idx.msk [tilespmem:v21+s0+$0x0], $0xffff;
	[tilespmem:s14+$0xFFFFFF80] =	vst v12;
	v12 =	vor.u32 $0x8, v4  }
0x149: {  	v21 =	vor.u32 $0x11, v3;
	v13 =	vld.idx.msk [tilespmem:v13+s0+$0x0], $0xffff;
	[tilespmem:s14+$0x190] =	vst v14  }
0x14a: {  	v14 =	vor.u32 $0x1A, v10;
	[tilespmem:s10+$0x100] =	vst v8;
	v15 =	vld.idx.msk [tilespmem:v15+s0+$0x0], $0xffff  }
0x14b: {  	[tilespmem:s12+$0x70] =	vst v16;
	v16 =	vld.idx.msk [tilespmem:v17+s0+$0x0], $0xffff;
	v17 =	vor.u32 $0x1B, v9  }
0x14c: {  	s16 =	simm.s32 $0x7;
	[tilespmem:s12+$0xFFFFFE70] =	vst v11;
	v11 =	vld.idx.msk [tilespmem:v18+s0+$0x0], $0xffff;
	v18 =	vor.u32 $0x12, v7  }
0x14d: {  	v8 =	vmov s16;
	[tilespmem:s10+$0xFFFFFF00] =	vst v19;
	v19 =	vor.u32 $0x9, v5;
	v12 =	vld.idx.msk [tilespmem:v12+s0+$0x0], $0xffff  }
0x14e: {  	v8 =	vshll.u32 v8, $0x5;
	v21 =	vld.idx.msk [tilespmem:v21+s0+$0x0], $0xffff;
	[tilespmem:s14+$0xFFFFFF90] =	vst v13  }
0x14f: {  	v8 =	vadd.s32 v2, v8;
	v13 =	vld.idx.msk [tilespmem:v14+s0+$0x0], $0xffff;
	[tilespmem:s14+$0x1A0] =	vst v15  }
0x150: {  	v14 =	vor.u32 $0x9, v4;
	[tilespmem:s10+$0x110] =	vst v16;
	v16 =	vld.idx.msk [tilespmem:v17+s0+$0x0], $0xffff  }
0x151: {  	v15 =	vor.u32 $0x12, v3;
	[tilespmem:s12+$0x80] =	vst v11;
	v11 =	vld.idx.msk [tilespmem:v18+s0+$0x0], $0xffff  }
0x152: {  	v18 =	vld.idx.msk [tilespmem:v19+s0+$0x0], $0xffff;
	v19 =	vor.u32 $0x1C, v9  }
0x153: {  	v22 =	vor.u32 $0x13, v7;
	v20 =	vld.idx.msk [tilespmem:v6+s0+$0x0], $0xffff;
	[tilespmem:s12+$0xFFFFFE80] =	vst v12  }
0x154: {  	v23 =	vor.u32 $0x1, v6;
	v12 =	vld.idx.msk [tilespmem:v8+s0+$0x0], $0xffff;
	[tilespmem:s10+$0xFFFFFF10] =	vst v21  }
0x155: {  	v21 =	vor.u32 $0xA, v5;
	v14 =	vld.idx.msk [tilespmem:v14+s0+$0x0], $0xffff;
	[tilespmem:s14+$0xFFFFFFA0] =	vst v13  }
0x156: {  	v17 =	vor.u32 $0x1B, v10;
	v15 =	vld.idx.msk [tilespmem:v15+s0+$0x0], $0xffff;
	[tilespmem:s14+$0x1B0] =	vst v16  }
0x157: {  	s16 =	sadd.s32 $0x400, s12;
	v13 =	vor.u32 $0x1, v8;
	[tilespmem:s10+$0x120] =	vst v11;
	v11 =	vld.idx.msk [tilespmem:v19+s0+$0x0], $0xffff  }
0x158: {  	[tilespmem:s16+$0xFFFFFE00] =	vst v20;
	v16 =	vor.u32 $0xA, v4;
	v19 =	vld.idx.msk [tilespmem:v22+s0+$0x0], $0xffff  }
0x159: {  	[tilespmem:s12+$0x90] =	vst v18;
	v18 =	vor.u32 $0x13, v3;
	v22 =	vld.idx.msk [tilespmem:v23+s0+$0x0], $0xffff  }
0x15a: {  	[tilespmem:s16+$0x0] =	vst v12;
	v12 =	vld.idx.msk [tilespmem:v21+s0+$0x0], $0xffff;
	v21 =	vor.u32 $0x1D, v9  }
0x15b: {  	v20 =	vor.u32 $0x14, v7;
	v17 =	vld.idx.msk [tilespmem:v17+s0+$0x0], $0xffff;
	[tilespmem:s12+$0xFFFFFE90] =	vst v14  }
0x15c: {  	v13 =	vld.idx.msk [tilespmem:v13+s0+$0x0], $0xffff;
	v14 =	vor.u32 $0xB, v5;
	[tilespmem:s10+$0xFFFFFF20] =	vst v15  }
0x15d: {  	v15 =	vor.u32 $0x2, v6;
	v16 =	vld.idx.msk [tilespmem:v16+s0+$0x0], $0xffff;
	[tilespmem:s14+$0x1C0] =	vst v11  }
0x15e: {  	v23 =	vor.u32 $0x2, v8;
	v18 =	vld.idx.msk [tilespmem:v18+s0+$0x0], $0xffff;
	[tilespmem:s10+$0x130] =	vst v19  }
0x15f: {  	v11 =	vor.u32 $0xB, v4;
	[tilespmem:s16+$0xFFFFFE10] =	vst v22;
	v19 =	vld.idx.msk [tilespmem:v21+s0+$0x0], $0xffff  }
0x160: {  	[tilespmem:s12+$0xA0] =	vst v12;
	v12 =	vor.u32 $0x14, v3;
	v20 =	vld.idx.msk [tilespmem:v20+s0+$0x0], $0xffff  }
0x161: {  	[tilespmem:s16+$0x10] =	vst v13;
	v13 =	vld.idx.msk [tilespmem:v14+s0+$0x0], $0xffff;
	v14 =	vor.u32 $0x1E, v9  }
0x162: {  	v22 =	vor.u32 $0x15, v7;
	v15 =	vld.idx.msk [tilespmem:v15+s0+$0x0], $0xffff;
	[tilespmem:s12+$0xFFFFFEA0] =	vst v16  }
0x163: {  	v21 =	vld.idx.msk [tilespmem:v23+s0+$0x0], $0xffff;
	v16 =	vor.u32 $0xC, v5;
	[tilespmem:s10+$0xFFFFFF30] =	vst v18  }
0x164: {  	v23 =	vor.u32 $0x3, v8;
	v11 =	vld.idx.msk [tilespmem:v11+s0+$0x0], $0xffff;
	[tilespmem:s14+$0x1D0] =	vst v19  }
0x165: {  	v18 =	vor.u32 $0x3, v6;
	v12 =	vld.idx.msk [tilespmem:v12+s0+$0x0], $0xffff;
	[tilespmem:s10+$0x140] =	vst v20  }
0x166: {  	v19 =	vor.u32 $0xC, v4;
	v14 =	vld.idx.msk [tilespmem:v14+s0+$0x0], $0xffff;
	[tilespmem:s12+$0xB0] =	vst v13  }
0x167: {  	v13 =	vor.u32 $0x15, v3;
	v20 =	vld.idx.msk [tilespmem:v22+s0+$0x0], $0xffff;
	[tilespmem:s16+$0xFFFFFE20] =	vst v15  }
0x168: {  	v9 =	vor.u32 $0x1F, v9;
	[tilespmem:s16+$0x20] =	vst v21;
	v16 =	vld.idx.msk [tilespmem:v16+s0+$0x0], $0xffff  }
0x169: {  	v21 =	vor.u32 $0x16, v7;
	v15 =	vld.idx.msk [tilespmem:v23+s0+$0x0], $0xffff;
	[tilespmem:s12+$0xFFFFFEB0] =	vst v11  }
0x16a: {  	v18 =	vld.idx.msk [tilespmem:v18+s0+$0x0], $0xffff;
	v11 =	vor.u32 $0xD, v5;
	[tilespmem:s10+$0xFFFFFF40] =	vst v12  }
0x16b: {  	v22 =	vor.u32 $0x4, v8;
	v19 =	vld.idx.msk [tilespmem:v19+s0+$0x0], $0xffff;
	[tilespmem:s14+$0x1E0] =	vst v14  }
0x16c: {  	s15 =	simm.s32 $0x8;
	v12 =	vor.u32 $0x4, v6;
	v13 =	vld.idx.msk [tilespmem:v13+s0+$0x0], $0xffff;
	[tilespmem:s10+$0x150] =	vst v20  }
0x16d: {  	v23 =	vor.u32 $0xD, v4;
	v14 =	vmov s15;
	v20 =	vld.idx.msk [tilespmem:v9+s0+$0x0], $0xffff;
	[tilespmem:s12+$0xC0] =	vst v16  }
0x16e: {  	v9 =	vshll.u32 v14, $0x5;
	v14 =	vor.u32 $0x16, v3;
	v16 =	vld.idx.msk [tilespmem:v21+s0+$0x0], $0xffff;
	[tilespmem:s16+$0x30] =	vst v15  }
0x16f: {  	v21 =	vor.u32 $0x17, v7;
	v15 =	vld.idx.msk [tilespmem:v11+s0+$0x0], $0xffff;
	[tilespmem:s16+$0xFFFFFE30] =	vst v18  }
0x170: {  	v18 =	vld.idx.msk [tilespmem:v22+s0+$0x0], $0xffff;
	[tilespmem:s12+$0xFFFFFEC0] =	vst v19;
	v19 =	vor.u32 $0xE, v5  }
0x171: {  	v22 =	vor.u32 $0x5, v8;
	v12 =	vld.idx.msk [tilespmem:v12+s0+$0x0], $0xffff;
	[tilespmem:s10+$0xFFFFFF50] =	vst v13  }
0x172: {  	v23 =	vld.idx.msk [tilespmem:v23+s0+$0x0], $0xffff;
	v13 =	vor.u32 $0x5, v6;
	[tilespmem:s14+$0x1F0] =	vst v20  }
0x173: {  	v14 =	vld.idx.msk [tilespmem:v14+s0+$0x0], $0xffff;
	v20 =	vor.u32 $0xE, v4;
	[tilespmem:s10+$0x160] =	vst v16  }
0x174: {  	v16 =	vld.idx.msk [tilespmem:v21+s0+$0x0], $0xffff;
	[tilespmem:s12+$0xD0] =	vst v15;
	v15 =	vor.u32 $0x17, v3  }
0x175: {  	[tilespmem:s16+$0x40] =	vst v18;
	v18 =	vld.idx.msk [tilespmem:v19+s0+$0x0], $0xffff;
	v19 =	vor.u32 $0x1C, v10  }
0x176: {  	v21 =	vor.u32 $0x18, v7;
	[tilespmem:s16+$0xFFFFFE40] =	vst v12;
	v12 =	vld.idx.msk [tilespmem:v22+s0+$0x0], $0xffff  }
0x177: {  	v22 =	vor.u32 $0xF, v5;
	v13 =	vld.idx.msk [tilespmem:v13+s0+$0x0], $0xffff;
	[tilespmem:s12+$0xFFFFFED0] =	vst v23  }
0x178: {  	v23 =	vor.u32 $0x6, v8;
	v20 =	vld.idx.msk [tilespmem:v20+s0+$0x0], $0xffff;
	[tilespmem:s10+$0xFFFFFF60] =	vst v14  }
0x179: {  	[tilespmem:s14+$0xFFFFFFB0] =	vst v17;
	v14 =	vor.u32 $0x6, v6;
	v15 =	vld.idx.msk [tilespmem:v15+s0+$0x0], $0xffff  }
0x17a: {  	v17 =	vor.u32 $0xF, v4;
	[tilespmem:s10+$0x170] =	vst v16;
	v16 =	vld.idx.msk [tilespmem:v19+s0+$0x0], $0xffff  }
0x17b: {  	[tilespmem:s12+$0xE0] =	vst v18;
	v18 =	vor.u32 $0x18, v3;
	v19 =	vld.idx.msk [tilespmem:v21+s0+$0x0], $0xffff  }
0x17c: {  	[tilespmem:s16+$0x50] =	vst v12;
	v21 =	vor.u32 $0x1D, v10;
	v12 =	vld.idx.msk [tilespmem:v22+s0+$0x0], $0xffff  }
0x17d: {  	[tilespmem:s16+$0xFFFFFE50] =	vst v13;
	v13 =	vld.idx.msk [tilespmem:v23+s0+$0x0], $0xffff;
	v22 =	vor.u32 $0x19, v7  }
0x17e: {  	v14 =	vld.idx.msk [tilespmem:v14+s0+$0x0], $0xffff;
	[tilespmem:s12+$0xFFFFFEE0] =	vst v20;
	v20 =	vor.u32 $0x10, v5  }
0x17f: {  	v23 =	vor.u32 $0x7, v8;
	v17 =	vld.idx.msk [tilespmem:v17+s0+$0x0], $0xffff;
	[tilespmem:s10+$0xFFFFFF70] =	vst v15  }
0x180: {  	v15 =	vor.u32 $0x7, v6;
	v18 =	vld.idx.msk [tilespmem:v18+s0+$0x0], $0xffff;
	[tilespmem:s14+$0xFFFFFFC0] =	vst v16  }
0x181: {  	v9 =	vadd.s32 v2, v9;
	[tilespmem:s10+$0x180] =	vst v19;
	v21 =	vld.idx.msk [tilespmem:v21+s0+$0x0], $0xffff  }
0x182: {  	v16 =	vor.u32 $0x10, v4;
	[tilespmem:s12+$0xF0] =	vst v12;
	v22 =	vld.idx.msk [tilespmem:v22+s0+$0x0], $0xffff  }
0x183: {  	v12 =	vor.u32 $0x19, v3;
	[tilespmem:s16+$0x60] =	vst v13;
	v13 =	vld.idx.msk [tilespmem:v20+s0+$0x0], $0xffff  }
0x184: {  	v24 =	vor.u32 $0x1E, v10;
	[tilespmem:s16+$0xFFFFFE60] =	vst v14;
	v14 =	vld.idx.msk [tilespmem:v23+s0+$0x0], $0xffff  }
0x185: {  	[tilespmem:s12+$0xFFFFFEF0] =	vst v17;
	v25 =	vld.idx.msk [tilespmem:v15+s0+$0x0], $0xffff;
	v15 =	vor.u32 $0x11, v5  }
0x186: {  	v11 =	vld.idx.msk [tilespmem:v9+s0+$0x0], $0xffff;
	v23 =	vor.u32 $0x1A, v7;
	[tilespmem:s10+$0xFFFFFF80] =	vst v18  }
0x187: {  	v26 =	vor.u32 $0x8, v8;
	v20 =	vld.idx.msk [tilespmem:v16+s0+$0x0], $0xffff;
	[tilespmem:s14+$0xFFFFFFD0] =	vst v21  }
0x188: {  	v19 =	vld.idx.msk [tilespmem:v12+s0+$0x0], $0xffff;
	[tilespmem:s10+$0x190] =	vst v22;
	v21 =	vor.u32 $0x8, v6  }
0x189: {  	v18 =	vor.u32 $0x11, v4;
	v16 =	vld.idx.msk [tilespmem:v24+s0+$0x0], $0xffff;
	[tilespmem:s12+$0x100] =	vst v13  }
0x18a: {  	[tilespmem:s16+$0x70] =	vst v14;
	v14 =	vld.idx.msk [tilespmem:v15+s0+$0x0], $0xffff;
	v15 =	vor.u32 $0x1A, v3  }
0x18b: {  	v17 =	vld.idx.msk [tilespmem:v23+s0+$0x0], $0xffff;
	v13 =	vor.u32 $0x1F, v10  }
0x18c: {  	s11 =	sadd.s32 $0x11600, s11;
	s13 =	simm.s32 $0xA;
	s15 =	simm.s32 $0x9;
	v12 =	vor.u32 $0x1B, v7;
	v22 =	vld.idx.msk [tilespmem:v26+s0+$0x0], $0xffff;
	[tilespmem:s16+$0xFFFFFE70] =	vst v25  }
.LBB2_8:
0x18d: {  	p0 =	slt.u32 s13, $0x30;
	v10 =	vmov s15;
	v21 =	vld.idx.msk [tilespmem:v21+s0+$0x0], $0xffff;
	[tilespmem:s12+$0xFFFFFF00] =	vst v20;
	v20 =	vor.u32 $0x12, v5  }
0x18e: {  	v23 =	vor.u32 $0x9, v8;
	v10 =	vshll.u32 v10, $0x5;
	v18 =	vld.idx.msk [tilespmem:v18+s0+$0x0], $0xffff;
	[tilespmem:s10+$0xFFFFFF90] =	vst v19  }
0x18f: {  	v19 =	vadd.s32 v2, v10;
	v10 =	vld.idx.msk [tilespmem:v15+s0+$0x0], $0xffff;
	[tilespmem:s14+$0xFFFFFFE0] =	vst v16  }
0x190: {  	v15 =	vor.u32 $0x9, v6;
	[tilespmem:s10+$0x1A0] =	vst v17;
	v13 =	vld.idx.msk [tilespmem:v13+s0+$0x0], $0xffff  }
0x191: {  	v16 =	vor.u32 $0x12, v4;
	[tilespmem:s12+$0x110] =	vst v14;
	v12 =	vld.idx.msk [tilespmem:v12+s0+$0x0], $0xffff  }
0x192: {  	v17 =	vor.u32 $0x1B, v3;
	[tilespmem:s16+$0x80] =	vst v22;
	v14 =	vld.idx.msk [tilespmem:v20+s0+$0x0], $0xffff  }
0x193: {  	[tilespmem:s16+$0xFFFFFE80] =	vst v21;
	v20 =	vld.idx.msk [tilespmem:v23+s0+$0x0], $0xffff;
	v21 =	vor.u32 $0x1C, v7  }
0x194: {  	v22 =	vld.idx.msk [tilespmem:v19+s0+$0x0], $0xffff;
	[tilespmem:s12+$0xFFFFFF10] =	vst v18;
	v18 =	vor.u32 $0x13, v5  }
0x195: {  	v23 =	vor.u32 $0xA, v8;
	v15 =	vld.idx.msk [tilespmem:v15+s0+$0x0], $0xffff;
	[tilespmem:s10+$0xFFFFFFA0] =	vst v10  }
0x196: {  	v24 =	vor.u32 $0x1, v19;
	v16 =	vld.idx.msk [tilespmem:v16+s0+$0x0], $0xffff;
	[tilespmem:s14+$0xFFFFFFF0] =	vst v13;
	s14 =	smov.u32 s10;
	s10 =	smov.u32 s12;
	s12 =	smov.u32 s16  }
0x197: {  	v13 =	vor.u32 $0x1, v9;
	v10 =	vld.idx.msk [tilespmem:v17+s0+$0x0], $0xffff;
	[tilespmem:s14+$0x1B0] =	vst v12  }
0x198: {  	v12 =	vor.u32 $0xA, v6;
	[tilespmem:s10+$0x120] =	vst v14;
	v14 =	vld.idx.msk [tilespmem:v21+s0+$0x0], $0xffff  }
0x199: {  	s16 =	sadd.s32 $0x400, s16;
	v17 =	vor.u32 $0x13, v4;
	[tilespmem:s12+$0x90] =	vst v20;
	v18 =	vld.idx.msk [tilespmem:v18+s0+$0x0], $0xffff  }
0x19a: {  	v21 =	vor.u32 $0x1D, v7;
	[tilespmem:s16+$0x0] =	vst v22;
	v20 =	vld.idx.msk [tilespmem:v23+s0+$0x0], $0xffff  }
0x19b: {  	v22 =	vor.u32 $0x14, v5;
	[tilespmem:s16+$0xFFFFFE00] =	vst v11;
	v11 =	vld.idx.msk [tilespmem:v24+s0+$0x0], $0xffff  }
0x19c: {  	v13 =	vld.idx.msk [tilespmem:v13+s0+$0x0], $0xffff;
	[tilespmem:s12+$0xFFFFFE90] =	vst v15;
	v15 =	vor.u32 $0xB, v8  }
0x19d: {  	v23 =	vor.u32 $0x2, v19;
	v12 =	vld.idx.msk [tilespmem:v12+s0+$0x0], $0xffff;
	[tilespmem:s10+$0xFFFFFF20] =	vst v16  }
0x19e: {  	v16 =	vor.u32 $0x2, v9;
	v17 =	vld.idx.msk [tilespmem:v17+s0+$0x0], $0xffff;
	[tilespmem:s14+$0x1C0] =	vst v14  }
0x19f: {  	v14 =	vor.u32 $0xB, v6;
	[tilespmem:s10+$0x130] =	vst v18;
	v18 =	vld.idx.msk [tilespmem:v21+s0+$0x0], $0xffff  }
0x1a0: {  	[tilespmem:s12+$0xA0] =	vst v20;
	v20 =	vor.u32 $0x14, v4;
	v21 =	vld.idx.msk [tilespmem:v22+s0+$0x0], $0xffff  }
0x1a1: {  	[tilespmem:s16+$0x10] =	vst v11;
	v11 =	vld.idx.msk [tilespmem:v15+s0+$0x0], $0xffff;
	v15 =	vor.u32 $0x1E, v7  }
0x1a2: {  	v22 =	vor.u32 $0x15, v5;
	[tilespmem:s16+$0xFFFFFE10] =	vst v13;
	v13 =	vld.idx.msk [tilespmem:v23+s0+$0x0], $0xffff  }
0x1a3: {  	v16 =	vld.idx.msk [tilespmem:v16+s0+$0x0], $0xffff;
	[tilespmem:s12+$0xFFFFFEA0] =	vst v12;
	v12 =	vor.u32 $0xC, v8  }
0x1a4: {  	v23 =	vor.u32 $0x3, v19;
	v14 =	vld.idx.msk [tilespmem:v14+s0+$0x0], $0xffff;
	[tilespmem:s10+$0xFFFFFF30] =	vst v17  }
0x1a5: {  	v17 =	vor.u32 $0x3, v9;
	v20 =	vld.idx.msk [tilespmem:v20+s0+$0x0], $0xffff;
	[tilespmem:s14+$0x1D0] =	vst v18  }
0x1a6: {  	v18 =	vor.u32 $0xC, v6;
	[tilespmem:s10+$0x140] =	vst v21;
	v15 =	vld.idx.msk [tilespmem:v15+s0+$0x0], $0xffff  }
0x1a7: {  	[tilespmem:s12+$0xB0] =	vst v11;
	v11 =	vor.u32 $0x15, v4;
	v21 =	vld.idx.msk [tilespmem:v22+s0+$0x0], $0xffff  }
0x1a8: {  	[tilespmem:s16+$0x20] =	vst v13;
	v12 =	vld.idx.msk [tilespmem:v12+s0+$0x0], $0xffff;
	v13 =	vor.u32 $0x1F, v7;
	v7 =	vmovc v5;
	v5 =	vmov v8;
	v8 =	vmov v19  }
0x1a9: {  	[tilespmem:s16+$0xFFFFFE20] =	vst v16;
	v16 =	vld.idx.msk [tilespmem:v23+s0+$0x0], $0xffff;
	v19 =	vor.u32 $0x16, v7  }
0x1aa: {  	v17 =	vld.idx.msk [tilespmem:v17+s0+$0x0], $0xffff;
	[tilespmem:s12+$0xFFFFFEB0] =	vst v14;
	v14 =	vor.u32 $0xD, v5  }
0x1ab: {  	v22 =	vor.u32 $0x4, v8;
	v18 =	vld.idx.msk [tilespmem:v18+s0+$0x0], $0xffff;
	[tilespmem:s10+$0xFFFFFF40] =	vst v20  }
0x1ac: {  	v20 =	vor.u32 $0x4, v9;
	v11 =	vld.idx.msk [tilespmem:v11+s0+$0x0], $0xffff;
	[tilespmem:s14+$0x1E0] =	vst v15  }
0x1ad: {  	v23 =	vor.u32 $0xD, v6;
	v15 =	vmov s13;
	[tilespmem:s10+$0x150] =	vst v21;
	v13 =	vld.idx.msk [tilespmem:v13+s0+$0x0], $0xffff  }
0x1ae: {  	v15 =	vshll.u32 v15, $0x5;
	[tilespmem:s12+$0xC0] =	vst v12;
	v12 =	vor.u32 $0x16, v4;
	v19 =	vld.idx.msk [tilespmem:v19+s0+$0x0], $0xffff  }
0x1af: {  	v24 =	vadd.s32 v2, v15;
	[tilespmem:s16+$0x30] =	vst v16;
	v14 =	vld.idx.msk [tilespmem:v14+s0+$0x0], $0xffff  }
0x1b0: {  	v16 =	vor.u32 $0x17, v7;
	[tilespmem:s16+$0xFFFFFE30] =	vst v17;
	v15 =	vld.idx.msk [tilespmem:v22+s0+$0x0], $0xffff  }
0x1b1: {  	v17 =	vld.idx.msk [tilespmem:v20+s0+$0x0], $0xffff;
	[tilespmem:s12+$0xFFFFFEC0] =	vst v18;
	v18 =	vor.u32 $0xE, v5  }
0x1b2: {  	v20 =	vor.u32 $0x5, v8;
	v21 =	vld.idx.msk [tilespmem:v23+s0+$0x0], $0xffff;
	[tilespmem:s10+$0xFFFFFF50] =	vst v11  }
0x1b3: {  	v22 =	vor.u32 $0x5, v9;
	v12 =	vld.idx.msk [tilespmem:v12+s0+$0x0], $0xffff;
	[tilespmem:s14+$0x1F0] =	vst v13  }
0x1b4: {  	v13 =	vor.u32 $0xE, v6;
	v11 =	vld.idx.msk [tilespmem:v24+s0+$0x0], $0xffff;
	[tilespmem:s10+$0x160] =	vst v19  }
0x1b5: {  	[tilespmem:s12+$0xD0] =	vst v14;
	v14 =	vor.u32 $0x17, v4;
	v16 =	vld.idx.msk [tilespmem:v16+s0+$0x0], $0xffff  }
0x1b6: {  	[tilespmem:s16+$0x40] =	vst v15;
	v15 =	vld.idx.msk [tilespmem:v18+s0+$0x0], $0xffff;
	v18 =	vor.u32 $0x1C, v3  }
0x1b7: {  	v19 =	vor.u32 $0x18, v7;
	[tilespmem:s16+$0xFFFFFE40] =	vst v17;
	v17 =	vld.idx.msk [tilespmem:v20+s0+$0x0], $0xffff  }
0x1b8: {  	v20 =	vld.idx.msk [tilespmem:v22+s0+$0x0], $0xffff;
	[tilespmem:s12+$0xFFFFFED0] =	vst v21;
	v21 =	vor.u32 $0xF, v5  }
0x1b9: {  	v22 =	vor.u32 $0x6, v8;
	v13 =	vld.idx.msk [tilespmem:v13+s0+$0x0], $0xffff;
	[tilespmem:s10+$0xFFFFFF60] =	vst v12  }
0x1ba: {  	v12 =	vor.u32 $0x6, v9;
	v14 =	vld.idx.msk [tilespmem:v14+s0+$0x0], $0xffff;
	[tilespmem:s14+$0xFFFFFFB0] =	vst v10  }
0x1bb: {  	v10 =	vor.u32 $0xF, v6;
	[tilespmem:s10+$0x170] =	vst v16;
	v16 =	vld.idx.msk [tilespmem:v18+s0+$0x0], $0xffff  }
0x1bc: {  	[tilespmem:s12+$0xE0] =	vst v15;
	v15 =	vor.u32 $0x18, v4;
	v18 =	vld.idx.msk [tilespmem:v19+s0+$0x0], $0xffff  }
0x1bd: {  	v19 =	vor.u32 $0x1D, v3;
	[tilespmem:s16+$0x50] =	vst v17;
	v17 =	vld.idx.msk [tilespmem:v21+s0+$0x0], $0xffff  }
0x1be: {  	v21 =	vor.u32 $0x19, v7;
	[tilespmem:s16+$0xFFFFFE50] =	vst v20;
	v20 =	vld.idx.msk [tilespmem:v22+s0+$0x0], $0xffff  }
0x1bf: {  	v12 =	vld.idx.msk [tilespmem:v12+s0+$0x0], $0xffff;
	[tilespmem:s12+$0xFFFFFEE0] =	vst v13;
	v13 =	vor.u32 $0x10, v5  }
0x1c0: {  	v22 =	vor.u32 $0x7, v8;
	v10 =	vld.idx.msk [tilespmem:v10+s0+$0x0], $0xffff;
	[tilespmem:s10+$0xFFFFFF70] =	vst v14  }
0x1c1: {  	v14 =	vor.u32 $0x7, v9;
	v15 =	vld.idx.msk [tilespmem:v15+s0+$0x0], $0xffff;
	[tilespmem:s14+$0xFFFFFFC0] =	vst v16  }
0x1c2: {  	v16 =	vor.u32 $0x10, v6;
	[tilespmem:s10+$0x180] =	vst v18;
	v18 =	vld.idx.msk [tilespmem:v19+s0+$0x0], $0xffff  }
0x1c3: {  	[tilespmem:s12+$0xF0] =	vst v17;
	v17 =	vor.u32 $0x19, v4;
	v23 =	vld.idx.msk [tilespmem:v21+s0+$0x0], $0xffff  }
0x1c4: {  	v25 =	vor.u32 $0x1E, v3;
	[tilespmem:s16+$0x60] =	vst v20;
	v13 =	vld.idx.msk [tilespmem:v13+s0+$0x0], $0xffff  }
0x1c5: {  	[tilespmem:s16+$0xFFFFFE60] =	vst v12;
	v12 =	vld.idx.msk [tilespmem:v22+s0+$0x0], $0xffff;
	v22 =	vor.u32 $0x1A, v7  }
0x1c6: {  	v26 =	vld.idx.msk [tilespmem:v14+s0+$0x0], $0xffff;
	[tilespmem:s12+$0xFFFFFEF0] =	vst v10;
	v10 =	vor.u32 $0x11, v5  }
0x1c7: {  	v27 =	vor.u32 $0x8, v8;
	v20 =	vld.idx.msk [tilespmem:v16+s0+$0x0], $0xffff;
	[tilespmem:s10+$0xFFFFFF80] =	vst v15  }
.Ltmp2:
0x1c8: {  	v21 =	vor.u32 $0x8, v9;
	v19 =	vld.idx.msk [tilespmem:v17+s0+$0x0], $0xffff;
	[tilespmem:s14+$0xFFFFFFD0] =	vst v18;
	(pc) =	sbr.rel @p0 .LBB2_8-.Ltmp2, $4  }
0x1c9: {  	v18 =	vor.u32 $0x11, v6;
	[tilespmem:s10+$0x190] =	vst v23;
	v16 =	vld.idx.msk [tilespmem:v25+s0+$0x0], $0xffff  }
0x1ca: {  	v15 =	vor.u32 $0x1A, v4;
	[tilespmem:s12+$0x100] =	vst v13;
	v17 =	vld.idx.msk [tilespmem:v22+s0+$0x0], $0xffff  }
0x1cb: {  	v13 =	vor.u32 $0x1F, v3;
	v3 =	vmovc v4;
	v4 =	vmovc v6;
	v6 =	vmov v9;
	v9 =	vmov v24;
	[tilespmem:s16+$0x70] =	vst v12;
	v14 =	vld.idx.msk [tilespmem:v10+s0+$0x0], $0xffff  }
0x1cc: {  	s15 =	sadd.s32 $0x1, s13;
	s13 =	sadd.s32 $0x2, s13;
	v12 =	vor.u32 $0x1B, v7;
	[tilespmem:s16+$0xFFFFFE70] =	vst v26;
	v22 =	vld.idx.msk [tilespmem:v27+s0+$0x0], $0xffff  }
0x1cd: {  	v10 =	vmov s15  }
0x1ce: {  	v10 =	vshll.u32 v10, $0x5  }
0x1cf: {  	v10 =	vadd.s32 v2, v10;
	_ =	sdelay $0x3  }
0x1d0: {  	v25 =	vor.u32 $0x1, v9  }
0x1d1: {  	v23 =	vld.idx.msk [tilespmem:v10+s0+$0x0], $0xffff  }
0x1d2: {  	v24 =	vor.u32 $0x1, v10  }
0x1d3: {  	s13 =	sadd.s32 $0x400, s16  }
0x1d4: {  	[tilespmem:s13+$0xFFFFFE00] =	vst v11  }
0x1d5: {  	v51 =	vld.idx.msk [tilespmem:v25+s0+$0x0], $0xffff  }
0x1d6: {  	v53 =	vor.u32 $0x2, v9;
	[tilespmem:s13+$0x0] =	vst v23  }
0x1d7: {  	v50 =	vld.idx.msk [tilespmem:v24+s0+$0x0], $0xffff  }
0x1d8: {  	v52 =	vor.u32 $0x2, v10;
	_ =	sdelay $0x1  }
0x1d9: {  	[tilespmem:s13+$0xFFFFFE10] =	vst v51  }
0x1da: {  	v23 =	vld.idx.msk [tilespmem:v53+s0+$0x0], $0xffff  }
0x1db: {  	v55 =	vor.u32 $0x3, v9;
	[tilespmem:s13+$0x10] =	vst v50  }
0x1dc: {  	v11 =	vld.idx.msk [tilespmem:v52+s0+$0x0], $0xffff  }
0x1dd: {  	v54 =	vor.u32 $0x3, v10;
	_ =	sdelay $0x1  }
0x1de: {  	[tilespmem:s13+$0xFFFFFE20] =	vst v23  }
0x1df: {  	v23 =	vld.idx.msk [tilespmem:v55+s0+$0x0], $0xffff  }
0x1e0: {  	v57 =	vor.u32 $0x4, v9;
	[tilespmem:s13+$0x20] =	vst v11  }
0x1e1: {  	v11 =	vld.idx.msk [tilespmem:v54+s0+$0x0], $0xffff  }
0x1e2: {  	v56 =	vor.u32 $0x4, v10;
	_ =	sdelay $0x1  }
0x1e3: {  	[tilespmem:s13+$0xFFFFFE30] =	vst v23  }
0x1e4: {  	v23 =	vld.idx.msk [tilespmem:v57+s0+$0x0], $0xffff  }
0x1e5: {  	v59 =	vor.u32 $0x5, v9;
	[tilespmem:s13+$0x30] =	vst v11  }
0x1e6: {  	v11 =	vld.idx.msk [tilespmem:v56+s0+$0x0], $0xffff  }
0x1e7: {  	v58 =	vor.u32 $0x5, v10;
	_ =	sdelay $0x1  }
0x1e8: {  	[tilespmem:s13+$0xFFFFFE40] =	vst v23  }
0x1e9: {  	v23 =	vld.idx.msk [tilespmem:v59+s0+$0x0], $0xffff  }
0x1ea: {  	v61 =	vor.u32 $0x6, v9;
	[tilespmem:s13+$0x40] =	vst v11  }
0x1eb: {  	v11 =	vld.idx.msk [tilespmem:v58+s0+$0x0], $0xffff  }
0x1ec: {  	v60 =	vor.u32 $0x6, v10;
	_ =	sdelay $0x1  }
0x1ed: {  	[tilespmem:s13+$0xFFFFFE50] =	vst v23  }
0x1ee: {  	v23 =	vld.idx.msk [tilespmem:v61+s0+$0x0], $0xffff  }
0x1ef: {  	v63 =	vor.u32 $0x7, v9;
	[tilespmem:s13+$0x50] =	vst v11  }
0x1f0: {  	v11 =	vld.idx.msk [tilespmem:v60+s0+$0x0], $0xffff  }
0x1f1: {  	v62 =	vor.u32 $0x7, v10;
	_ =	sdelay $0x1  }
0x1f2: {  	[tilespmem:s13+$0xFFFFFE60] =	vst v23  }
0x1f3: {  	v23 =	vld.idx.msk [tilespmem:v63+s0+$0x0], $0xffff  }
0x1f4: {  	v29 =	vor.u32 $0x8, v9;
	[tilespmem:s13+$0x60] =	vst v11  }
0x1f5: {  	v11 =	vld.idx.msk [tilespmem:v62+s0+$0x0], $0xffff  }
0x1f6: {  	v28 =	vor.u32 $0x8, v10;
	_ =	sdelay $0x1  }
0x1f7: {  	[tilespmem:s13+$0xFFFFFE70] =	vst v23  }
0x1f8: {  	v26 =	vor.u32 $0x9, v8;
	v32 =	vld.idx.msk [tilespmem:v29+s0+$0x0], $0xffff  }
0x1f9: {  	v21 =	vld.idx.msk [tilespmem:v21+s0+$0x0], $0xffff;
	v27 =	vor.u32 $0x9, v9;
	[tilespmem:s13+$0x70] =	vst v11  }
0x1fa: {  	v30 =	vor.u32 $0x9, v6;
	v31 =	vld.idx.msk [tilespmem:v28+s0+$0x0], $0xffff  }
0x1fb: {  	v33 =	vor.u32 $0x9, v10  }
0x1fc: {  	[tilespmem:s16+$0x80] =	vst v22  }
0x1fd: {  	v34 =	vld.idx.msk [tilespmem:v26+s0+$0x0], $0xffff;
	[tilespmem:s13+$0xFFFFFE80] =	vst v32  }
0x1fe: {  	v35 =	vor.u32 $0xA, v8;
	[tilespmem:s16+$0xFFFFFE80] =	vst v21;
	v38 =	vld.idx.msk [tilespmem:v27+s0+$0x0], $0xffff  }
0x1ff: {  	v40 =	vor.u32 $0xA, v9;
	v11 =	vld.idx.msk [tilespmem:v30+s0+$0x0], $0xffff;
	[tilespmem:s13+$0x80] =	vst v31  }
0x200: {  	v36 =	vor.u32 $0xA, v6;
	[tilespmem:s12+$0xFFFFFF00] =	vst v20;
	v37 =	vld.idx.msk [tilespmem:v33+s0+$0x0], $0xffff  }
0x201: {  	[tilespmem:s10+$0xFFFFFF90] =	vst v19;
	v39 =	vor.u32 $0xA, v10  }
0x202: {  	[tilespmem:s16+$0x90] =	vst v34  }
0x203: {  	v41 =	vld.idx.msk [tilespmem:v35+s0+$0x0], $0xffff;
	[tilespmem:s13+$0xFFFFFE90] =	vst v38  }
0x204: {  	v42 =	vor.u32 $0xB, v8;
	[tilespmem:s16+$0xFFFFFE90] =	vst v11;
	v19 =	vld.idx.msk [tilespmem:v40+s0+$0x0], $0xffff  }
0x205: {  	v47 =	vor.u32 $0xB, v9;
	v43 =	vld.idx.msk [tilespmem:v36+s0+$0x0], $0xffff;
	[tilespmem:s13+$0x90] =	vst v37  }
0x206: {  	v44 =	vor.u32 $0xB, v6;
	[tilespmem:s14+$0xFFFFFFE0] =	vst v16;
	v45 =	vld.idx.msk [tilespmem:v39+s0+$0x0], $0xffff  }
0x207: {  	[tilespmem:s10+$0x1A0] =	vst v17;
	v46 =	vor.u32 $0xB, v10  }
0x208: {  	v18 =	vld.idx.msk [tilespmem:v18+s0+$0x0], $0xffff;
	[tilespmem:s16+$0xA0] =	vst v41  }
0x209: {  	v11 =	vld.idx.msk [tilespmem:v42+s0+$0x0], $0xffff;
	[tilespmem:s13+$0xFFFFFEA0] =	vst v19  }
0x20a: {  	v48 =	vor.u32 $0xC, v8;
	[tilespmem:s16+$0xFFFFFEA0] =	vst v43;
	v17 =	vld.idx.msk [tilespmem:v47+s0+$0x0], $0xffff  }
0x20b: {  	v51 =	vor.u32 $0xC, v9;
	v20 =	vld.idx.msk [tilespmem:v44+s0+$0x0], $0xffff;
	[tilespmem:s13+$0xA0] =	vst v45  }
0x20c: {  	v49 =	vor.u32 $0xC, v6;
	[tilespmem:s12+$0x110] =	vst v14;
	v16 =	vld.idx.msk [tilespmem:v46+s0+$0x0], $0xffff  }
0x20d: {  	v15 =	vld.idx.msk [tilespmem:v15+s0+$0x0], $0xffff;
	[tilespmem:s12+$0xFFFFFF10] =	vst v18;
	v50 =	vor.u32 $0xC, v10  }
0x20e: {  	v13 =	vld.idx.msk [tilespmem:v13+s0+$0x0], $0xffff;
	[tilespmem:s16+$0xB0] =	vst v11  }
0x20f: {  	v52 =	vor.u32 $0x12, v5;
	v53 =	vld.idx.msk [tilespmem:v48+s0+$0x0], $0xffff;
	[tilespmem:s13+$0xFFFFFEB0] =	vst v17  }
0x210: {  	v54 =	vor.u32 $0xD, v8;
	[tilespmem:s16+$0xFFFFFEB0] =	vst v20;
	v17 =	vld.idx.msk [tilespmem:v51+s0+$0x0], $0xffff  }
0x211: {  	v58 =	vor.u32 $0xD, v9;
	v55 =	vld.idx.msk [tilespmem:v49+s0+$0x0], $0xffff;
	[tilespmem:s13+$0xB0] =	vst v16  }
0x212: {  	[tilespmem:s10+$0xFFFFFFA0] =	vst v15;
	v56 =	vor.u32 $0xD, v6;
	v14 =	vld.idx.msk [tilespmem:v50+s0+$0x0], $0xffff  }
0x213: {  	v12 =	vld.idx.msk [tilespmem:v12+s0+$0x0], $0xffff;
	[tilespmem:s14+$0xFFFFFFF0] =	vst v13;
	v57 =	vor.u32 $0xD, v10  }
0x214: {  	v59 =	vor.u32 $0x12, v4;
	v11 =	vld.idx.msk [tilespmem:v52+s0+$0x0], $0xffff;
	[tilespmem:s16+$0xC0] =	vst v53  }
0x215: {  	v60 =	vor.u32 $0x1C, v7;
	v20 =	vld.idx.msk [tilespmem:v54+s0+$0x0], $0xffff;
	[tilespmem:s13+$0xFFFFFEC0] =	vst v17  }
0x216: {  	v61 =	vor.u32 $0xE, v8;
	[tilespmem:s16+$0xFFFFFEC0] =	vst v55;
	v13 =	vld.idx.msk [tilespmem:v58+s0+$0x0], $0xffff  }
0x217: {  	v25 =	vor.u32 $0xE, v9;
	v16 =	vld.idx.msk [tilespmem:v56+s0+$0x0], $0xffff;
	[tilespmem:s13+$0xC0] =	vst v14  }
0x218: {  	[tilespmem:s10+$0x1B0] =	vst v12;
	v62 =	vor.u32 $0xE, v6;
	v15 =	vld.idx.msk [tilespmem:v57+s0+$0x0], $0xffff  }
0x219: {  	v24 =	vld.idx.msk [tilespmem:v59+s0+$0x0], $0xffff;
	v63 =	vor.u32 $0xE, v10;
	[tilespmem:s12+$0x120] =	vst v11  }
0x21a: {  	v26 =	vor.u32 $0x13, v5;
	v19 =	vld.idx.msk [tilespmem:v60+s0+$0x0], $0xffff;
	[tilespmem:s16+$0xD0] =	vst v20  }
0x21b: {  	v33 =	vor.u32 $0x1D, v7;
	v21 =	vld.idx.msk [tilespmem:v61+s0+$0x0], $0xffff;
	[tilespmem:s13+$0xFFFFFED0] =	vst v13  }
0x21c: {  	v28 =	vor.u32 $0xF, v8;
	[tilespmem:s16+$0xFFFFFED0] =	vst v16;
	v11 =	vld.idx.msk [tilespmem:v25+s0+$0x0], $0xffff  }
0x21d: {  	v32 =	vor.u32 $0xF, v9;
	v14 =	vld.idx.msk [tilespmem:v62+s0+$0x0], $0xffff;
	[tilespmem:s13+$0xD0] =	vst v15  }
0x21e: {  	[tilespmem:s12+$0xFFFFFF20] =	vst v24;
	v29 =	vor.u32 $0xF, v6;
	v12 =	vld.idx.msk [tilespmem:v63+s0+$0x0], $0xffff  }
0x21f: {  	v30 =	vor.u32 $0xF, v10;
	v31 =	vld.idx.msk [tilespmem:v26+s0+$0x0], $0xffff;
	[tilespmem:s10+$0x1C0] =	vst v19  }
0x220: {  	v27 =	vor.u32 $0x13, v4;
	v39 =	vld.idx.msk [tilespmem:v33+s0+$0x0], $0xffff;
	[tilespmem:s16+$0xE0] =	vst v21  }
0x221: {  	v34 =	vor.u32 $0x14, v5;
	v16 =	vld.idx.msk [tilespmem:v28+s0+$0x0], $0xffff;
	[tilespmem:s13+$0xFFFFFEE0] =	vst v11  }
0x222: {  	v35 =	vor.u32 $0x10, v8;
	[tilespmem:s16+$0xFFFFFEE0] =	vst v14;
	v38 =	vld.idx.msk [tilespmem:v32+s0+$0x0], $0xffff  }
0x223: {  	v40 =	vor.u32 $0x10, v9;
	v15 =	vld.idx.msk [tilespmem:v29+s0+$0x0], $0xffff;
	[tilespmem:s13+$0xE0] =	vst v12  }
0x224: {  	v36 =	vor.u32 $0x10, v6;
	[tilespmem:s12+$0x130] =	vst v31;
	v13 =	vld.idx.msk [tilespmem:v30+s0+$0x0], $0xffff  }
0x225: {  	v37 =	vor.u32 $0x10, v10;
	v20 =	vld.idx.msk [tilespmem:v27+s0+$0x0], $0xffff;
	[tilespmem:s10+$0x1D0] =	vst v39  }
0x226: {  	v41 =	vor.u32 $0x14, v4;
	v21 =	vld.idx.msk [tilespmem:v34+s0+$0x0], $0xffff;
	[tilespmem:s16+$0xF0] =	vst v16  }
0x227: {  	v42 =	vor.u32 $0x1E, v7;
	v14 =	vld.idx.msk [tilespmem:v35+s0+$0x0], $0xffff;
	[tilespmem:s13+$0xFFFFFEF0] =	vst v38  }
0x228: {  	v43 =	vor.u32 $0x11, v8;
	[tilespmem:s16+$0xFFFFFEF0] =	vst v15;
	v46 =	vld.idx.msk [tilespmem:v40+s0+$0x0], $0xffff  }
0x229: {  	v48 =	vor.u32 $0x11, v9;
	v12 =	vld.idx.msk [tilespmem:v36+s0+$0x0], $0xffff;
	[tilespmem:s13+$0xF0] =	vst v13  }
0x22a: {  	v44 =	vor.u32 $0x11, v6;
	[tilespmem:s12+$0xFFFFFF30] =	vst v20;
	v11 =	vld.idx.msk [tilespmem:v37+s0+$0x0], $0xffff  }
0x22b: {  	v45 =	vor.u32 $0x11, v10;
	v47 =	vld.idx.msk [tilespmem:v41+s0+$0x0], $0xffff;
	[tilespmem:s12+$0x140] =	vst v21  }
0x22c: {  	v49 =	vor.u32 $0x15, v5;
	v16 =	vld.idx.msk [tilespmem:v42+s0+$0x0], $0xffff;
	[tilespmem:s16+$0x100] =	vst v14  }
0x22d: {  	v50 =	vor.u32 $0x15, v4;
	v15 =	vld.idx.msk [tilespmem:v43+s0+$0x0], $0xffff;
	[tilespmem:s13+$0xFFFFFF00] =	vst v46  }
0x22e: {  	v51 =	vor.u32 $0x12, v8;
	[tilespmem:s16+$0xFFFFFF00] =	vst v12;
	v54 =	vld.idx.msk [tilespmem:v48+s0+$0x0], $0xffff  }
0x22f: {  	v56 =	vor.u32 $0x12, v9;
	v13 =	vld.idx.msk [tilespmem:v44+s0+$0x0], $0xffff;
	[tilespmem:s13+$0x100] =	vst v11  }
0x230: {  	v52 =	vor.u32 $0x12, v6;
	[tilespmem:s12+$0xFFFFFF40] =	vst v47;
	v17 =	vld.idx.msk [tilespmem:v45+s0+$0x0], $0xffff  }
0x231: {  	v53 =	vor.u32 $0x12, v10;
	v55 =	vld.idx.msk [tilespmem:v49+s0+$0x0], $0xffff;
	[tilespmem:s10+$0x1E0] =	vst v16  }
0x232: {  	v57 =	vor.u32 $0x1F, v7;
	v14 =	vld.idx.msk [tilespmem:v50+s0+$0x0], $0xffff;
	[tilespmem:s16+$0x110] =	vst v15  }
0x233: {  	v58 =	vor.u32 $0x16, v5;
	v12 =	vld.idx.msk [tilespmem:v51+s0+$0x0], $0xffff;
	[tilespmem:s13+$0xFFFFFF10] =	vst v54  }
0x234: {  	v59 =	vor.u32 $0x13, v8;
	[tilespmem:s16+$0xFFFFFF10] =	vst v13;
	v16 =	vld.idx.msk [tilespmem:v56+s0+$0x0], $0xffff  }
0x235: {  	v62 =	vor.u32 $0x13, v9;
	v11 =	vld.idx.msk [tilespmem:v52+s0+$0x0], $0xffff;
	[tilespmem:s13+$0x110] =	vst v17  }
0x236: {  	v60 =	vor.u32 $0x13, v6;
	[tilespmem:s12+$0x150] =	vst v55;
	v18 =	vld.idx.msk [tilespmem:v53+s0+$0x0], $0xffff  }
0x237: {  	v61 =	vor.u32 $0x13, v10;
	v7 =	vld.idx.msk [tilespmem:v57+s0+$0x0], $0xffff;
	[tilespmem:s12+$0xFFFFFF50] =	vst v14  }
0x238: {  	v63 =	vor.u32 $0x16, v4;
	v15 =	vld.idx.msk [tilespmem:v58+s0+$0x0], $0xffff;
	[tilespmem:s16+$0x120] =	vst v12  }
0x239: {  	v23 =	vor.u32 $0x1B, v3;
	v13 =	vld.idx.msk [tilespmem:v59+s0+$0x0], $0xffff;
	[tilespmem:s13+$0xFFFFFF20] =	vst v16  }
0x23a: {  	v24 =	vor.u32 $0x14, v8;
	[tilespmem:s16+$0xFFFFFF20] =	vst v11;
	v14 =	vld.idx.msk [tilespmem:v62+s0+$0x0], $0xffff  }
0x23b: {  	v28 =	vor.u32 $0x14, v9;
	v17 =	vld.idx.msk [tilespmem:v60+s0+$0x0], $0xffff;
	[tilespmem:s13+$0x120] =	vst v18  }
0x23c: {  	v25 =	vor.u32 $0x14, v6;
	[tilespmem:s10+$0x1F0] =	vst v7;
	v19 =	vld.idx.msk [tilespmem:v61+s0+$0x0], $0xffff  }
0x23d: {  	v26 =	vor.u32 $0x14, v10;
	v27 =	vld.idx.msk [tilespmem:v63+s0+$0x0], $0xffff;
	[tilespmem:s12+$0x160] =	vst v15  }
0x23e: {  	v29 =	vor.u32 $0x17, v5;
	v12 =	vld.idx.msk [tilespmem:v23+s0+$0x0], $0xffff;
	[tilespmem:s16+$0x130] =	vst v13  }
0x23f: {  	v30 =	vor.u32 $0x17, v4;
	v11 =	vld.idx.msk [tilespmem:v24+s0+$0x0], $0xffff;
	[tilespmem:s13+$0xFFFFFF30] =	vst v14  }
0x240: {  	v31 =	vor.u32 $0x15, v8;
	[tilespmem:s16+$0xFFFFFF30] =	vst v17;
	v15 =	vld.idx.msk [tilespmem:v28+s0+$0x0], $0xffff  }
0x241: {  	v35 =	vor.u32 $0x15, v9;
	v18 =	vld.idx.msk [tilespmem:v25+s0+$0x0], $0xffff;
	[tilespmem:s13+$0x130] =	vst v19  }
0x242: {  	v32 =	vor.u32 $0x15, v6;
	[tilespmem:s12+$0xFFFFFF60] =	vst v27;
	v7 =	vld.idx.msk [tilespmem:v26+s0+$0x0], $0xffff  }
0x243: {  	v33 =	vor.u32 $0x15, v10;
	v34 =	vld.idx.msk [tilespmem:v29+s0+$0x0], $0xffff;
	[tilespmem:s10+$0xFFFFFFB0] =	vst v12  }
0x244: {  	v36 =	vor.u32 $0x1C, v3;
	v13 =	vld.idx.msk [tilespmem:v30+s0+$0x0], $0xffff;
	[tilespmem:s16+$0x140] =	vst v11  }
0x245: {  	v37 =	vor.u32 $0x18, v5;
	v17 =	vld.idx.msk [tilespmem:v31+s0+$0x0], $0xffff;
	[tilespmem:s13+$0xFFFFFF40] =	vst v15  }
0x246: {  	v38 =	vor.u32 $0x16, v8;
	[tilespmem:s16+$0xFFFFFF40] =	vst v18;
	v12 =	vld.idx.msk [tilespmem:v35+s0+$0x0], $0xffff  }
0x247: {  	v42 =	vor.u32 $0x16, v9;
	v19 =	vld.idx.msk [tilespmem:v32+s0+$0x0], $0xffff;
	[tilespmem:s13+$0x140] =	vst v7  }
0x248: {  	v39 =	vor.u32 $0x16, v6;
	[tilespmem:s12+$0x170] =	vst v34;
	v14 =	vld.idx.msk [tilespmem:v33+s0+$0x0], $0xffff  }
0x249: {  	v40 =	vor.u32 $0x16, v10;
	v41 =	vld.idx.msk [tilespmem:v36+s0+$0x0], $0xffff;
	[tilespmem:s12+$0xFFFFFF70] =	vst v13  }
0x24a: {  	v43 =	vor.u32 $0x18, v4;
	v11 =	vld.idx.msk [tilespmem:v37+s0+$0x0], $0xffff;
	[tilespmem:s16+$0x150] =	vst v17  }
0x24b: {  	v44 =	vor.u32 $0x1D, v3;
	v18 =	vld.idx.msk [tilespmem:v38+s0+$0x0], $0xffff;
	[tilespmem:s13+$0xFFFFFF50] =	vst v12  }
0x24c: {  	v45 =	vor.u32 $0x17, v8;
	[tilespmem:s16+$0xFFFFFF50] =	vst v19;
	v13 =	vld.idx.msk [tilespmem:v42+s0+$0x0], $0xffff  }
0x24d: {  	v49 =	vor.u32 $0x17, v9;
	v7 =	vld.idx.msk [tilespmem:v39+s0+$0x0], $0xffff;
	[tilespmem:s13+$0x150] =	vst v14  }
0x24e: {  	v46 =	vor.u32 $0x17, v6;
	[tilespmem:s10+$0xFFFFFFC0] =	vst v41;
	v15 =	vld.idx.msk [tilespmem:v40+s0+$0x0], $0xffff  }
0x24f: {  	v47 =	vor.u32 $0x17, v10;
	v48 =	vld.idx.msk [tilespmem:v43+s0+$0x0], $0xffff;
	[tilespmem:s12+$0x180] =	vst v11  }
0x250: {  	v50 =	vor.u32 $0x19, v5;
	v17 =	vld.idx.msk [tilespmem:v44+s0+$0x0], $0xffff;
	[tilespmem:s16+$0x160] =	vst v18  }
0x251: {  	v57 =	vor.u32 $0x1E, v3;
	v19 =	vld.idx.msk [tilespmem:v45+s0+$0x0], $0xffff;
	[tilespmem:s13+$0xFFFFFF60] =	vst v13  }
0x252: {  	v52 =	vor.u32 $0x18, v8;
	[tilespmem:s16+$0xFFFFFF60] =	vst v7;
	v11 =	vld.idx.msk [tilespmem:v49+s0+$0x0], $0xffff  }
0x253: {  	v56 =	vor.u32 $0x18, v9;
	v14 =	vld.idx.msk [tilespmem:v46+s0+$0x0], $0xffff;
	[tilespmem:s13+$0x160] =	vst v15  }
0x254: {  	v53 =	vor.u32 $0x18, v6;
	[tilespmem:s12+$0xFFFFFF80] =	vst v48;
	v12 =	vld.idx.msk [tilespmem:v47+s0+$0x0], $0xffff  }
0x255: {  	v54 =	vor.u32 $0x18, v10;
	v55 =	vld.idx.msk [tilespmem:v50+s0+$0x0], $0xffff;
	[tilespmem:s10+$0xFFFFFFD0] =	vst v17  }
0x256: {  	v51 =	vor.u32 $0x19, v4;
	v63 =	vld.idx.msk [tilespmem:v57+s0+$0x0], $0xffff;
	[tilespmem:s16+$0x170] =	vst v19  }
0x257: {  	v3 =	vor.u32 $0x1F, v3;
	v7 =	vld.idx.msk [tilespmem:v52+s0+$0x0], $0xffff;
	[tilespmem:s13+$0xFFFFFF70] =	vst v11  }
0x258: {  	v59 =	vor.u32 $0x19, v8;
	[tilespmem:s16+$0xFFFFFF70] =	vst v14;
	v62 =	vld.idx.msk [tilespmem:v56+s0+$0x0], $0xffff  }
0x259: {  	v24 =	vor.u32 $0x19, v9;
	v15 =	vld.idx.msk [tilespmem:v53+s0+$0x0], $0xffff;
	[tilespmem:s13+$0x170] =	vst v12  }
0x25a: {  	v60 =	vor.u32 $0x19, v6;
	[tilespmem:s12+$0x190] =	vst v55;
	v13 =	vld.idx.msk [tilespmem:v54+s0+$0x0], $0xffff  }
0x25b: {  	v61 =	vor.u32 $0x19, v10;
	v18 =	vld.idx.msk [tilespmem:v51+s0+$0x0], $0xffff;
	[tilespmem:s10+$0xFFFFFFE0] =	vst v63  }
0x25c: {  	v58 =	vor.u32 $0x1A, v5;
	v3 =	vld.idx.msk [tilespmem:v3+s0+$0x0], $0xffff;
	[tilespmem:s16+$0x180] =	vst v7  }
0x25d: {  	v25 =	vor.u32 $0x1A, v4;
	v7 =	vld.idx.msk [tilespmem:v59+s0+$0x0], $0xffff;
	[tilespmem:s13+$0xFFFFFF80] =	vst v62  }
0x25e: {  	v26 =	vor.u32 $0x1A, v8;
	[tilespmem:s16+$0xFFFFFF80] =	vst v15;
	v16 =	vld.idx.msk [tilespmem:v24+s0+$0x0], $0xffff  }
0x25f: {  	v30 =	vor.u32 $0x1A, v9;
	v12 =	vld.idx.msk [tilespmem:v60+s0+$0x0], $0xffff;
	[tilespmem:s13+$0x180] =	vst v13  }
0x260: {  	v27 =	vor.u32 $0x1A, v6;
	[tilespmem:s12+$0xFFFFFF90] =	vst v18;
	v11 =	vld.idx.msk [tilespmem:v61+s0+$0x0], $0xffff  }
0x261: {  	v28 =	vor.u32 $0x1A, v10;
	v19 =	vld.idx.msk [tilespmem:v58+s0+$0x0], $0xffff;
	[tilespmem:s10+$0xFFFFFFF0] =	vst v3  }
0x262: {  	v31 =	vor.u32 $0x1B, v5;
	v29 =	vld.idx.msk [tilespmem:v25+s0+$0x0], $0xffff;
	[tilespmem:s16+$0x190] =	vst v7  }
0x263: {  	v32 =	vor.u32 $0x1B, v4;
	v14 =	vld.idx.msk [tilespmem:v26+s0+$0x0], $0xffff;
	[tilespmem:s13+$0xFFFFFF90] =	vst v16  }
0x264: {  	v33 =	vor.u32 $0x1B, v8;
	[tilespmem:s16+$0xFFFFFF90] =	vst v12;
	v36 =	vld.idx.msk [tilespmem:v30+s0+$0x0], $0xffff  }
0x265: {  	v3 =	vor.u32 $0x1B, v9;
	v13 =	vld.idx.msk [tilespmem:v27+s0+$0x0], $0xffff;
	[tilespmem:s13+$0x190] =	vst v11  }
0x266: {  	v34 =	vor.u32 $0x1B, v6;
	[tilespmem:s12+$0x1A0] =	vst v19;
	v15 =	vld.idx.msk [tilespmem:v28+s0+$0x0], $0xffff  }
0x267: {  	v35 =	vor.u32 $0x1B, v10;
	[tilespmem:s12+$0xFFFFFFA0] =	vst v29;
	v37 =	vld.idx.msk [tilespmem:v31+s0+$0x0], $0xffff  }
0x268: {  	v38 =	vor.u32 $0x1C, v5;
	v7 =	vld.idx.msk [tilespmem:v32+s0+$0x0], $0xffff;
	[tilespmem:s16+$0x1A0] =	vst v14  }
0x269: {  	v39 =	vor.u32 $0x1C, v4;
	v12 =	vld.idx.msk [tilespmem:v33+s0+$0x0], $0xffff;
	[tilespmem:s13+$0xFFFFFFA0] =	vst v36  }
0x26a: {  	v40 =	vor.u32 $0x1C, v8;
	[tilespmem:s16+$0xFFFFFFA0] =	vst v13;
	v3 =	vld.idx.msk [tilespmem:v3+s0+$0x0], $0xffff  }
0x26b: {  	v43 =	vor.u32 $0x1C, v9;
	v11 =	vld.idx.msk [tilespmem:v34+s0+$0x0], $0xffff;
	[tilespmem:s13+$0x1A0] =	vst v15  }
0x26c: {  	v41 =	vor.u32 $0x1C, v6;
	[tilespmem:s12+$0x1B0] =	vst v37;
	v16 =	vld.idx.msk [tilespmem:v35+s0+$0x0], $0xffff  }
0x26d: {  	v42 =	vor.u32 $0x1C, v10;
	v18 =	vld.idx.msk [tilespmem:v38+s0+$0x0], $0xffff;
	[tilespmem:s12+$0xFFFFFFB0] =	vst v7  }
0x26e: {  	v44 =	vor.u32 $0x1D, v5;
	v14 =	vld.idx.msk [tilespmem:v39+s0+$0x0], $0xffff;
	[tilespmem:s16+$0x1B0] =	vst v12  }
0x26f: {  	v45 =	vor.u32 $0x1D, v4;
	v13 =	vld.idx.msk [tilespmem:v40+s0+$0x0], $0xffff;
	[tilespmem:s13+$0xFFFFFFB0] =	vst v3  }
0x270: {  	v46 =	vor.u32 $0x1D, v8;
	[tilespmem:s16+$0xFFFFFFB0] =	vst v11;
	v7 =	vld.idx.msk [tilespmem:v43+s0+$0x0], $0xffff  }
0x271: {  	v48 =	vor.u32 $0x1D, v9;
	v15 =	vld.idx.msk [tilespmem:v41+s0+$0x0], $0xffff;
	[tilespmem:s13+$0x1B0] =	vst v16  }
0x272: {  	v47 =	vor.u32 $0x1D, v6;
	[tilespmem:s12+$0x1C0] =	vst v18;
	v17 =	vld.idx.msk [tilespmem:v42+s0+$0x0], $0xffff  }
0x273: {  	v18 =	vld.idx.msk [tilespmem:v44+s0+$0x0], $0xffff;
	[tilespmem:s12+$0xFFFFFFC0] =	vst v14;
	v3 =	vor.u32 $0x1D, v10  }
0x274: {  	v49 =	vor.u32 $0x1E, v5;
	v12 =	vld.idx.msk [tilespmem:v45+s0+$0x0], $0xffff;
	[tilespmem:s16+$0x1C0] =	vst v13  }
0x275: {  	v50 =	vor.u32 $0x1E, v4;
	v11 =	vld.idx.msk [tilespmem:v46+s0+$0x0], $0xffff;
	[tilespmem:s13+$0xFFFFFFC0] =	vst v7  }
0x276: {  	v51 =	vor.u32 $0x1E, v8;
	[tilespmem:s16+$0xFFFFFFC0] =	vst v15;
	v14 =	vld.idx.msk [tilespmem:v48+s0+$0x0], $0xffff  }
0x277: {  	v54 =	vor.u32 $0x1E, v9;
	v16 =	vld.idx.msk [tilespmem:v47+s0+$0x0], $0xffff;
	[tilespmem:s13+$0x1C0] =	vst v17  }
0x278: {  	v52 =	vor.u32 $0x1E, v6;
	[tilespmem:s12+$0x1D0] =	vst v18;
	v3 =	vld.idx.msk [tilespmem:v3+s0+$0x0], $0xffff  }
0x279: {  	v53 =	vor.u32 $0x1E, v10;
	v18 =	vld.idx.msk [tilespmem:v49+s0+$0x0], $0xffff;
	[tilespmem:s12+$0xFFFFFFD0] =	vst v12  }
0x27a: {  	v55 =	vor.u32 $0x1F, v5;
	v13 =	vld.idx.msk [tilespmem:v50+s0+$0x0], $0xffff;
	[tilespmem:s16+$0x1D0] =	vst v11  }
0x27b: {  	v56 =	vor.u32 $0x1F, v4;
	v11 =	vld.idx.msk [tilespmem:v51+s0+$0x0], $0xffff;
	[tilespmem:s13+$0xFFFFFFD0] =	vst v14  }
0x27c: {  	v57 =	vor.u32 $0x1F, v8;
	[tilespmem:s16+$0xFFFFFFD0] =	vst v16;
	v61 =	vld.idx.msk [tilespmem:v54+s0+$0x0], $0xffff  }
0x27d: {  	v62 =	vor.u32 $0x1F, v9;
	v58 =	vld.idx.msk [tilespmem:v52+s0+$0x0], $0xffff;
	[tilespmem:s13+$0x1D0] =	vst v3  }
0x27e: {  	[tilespmem:s12+$0x1E0] =	vst v18;
	v3 =	vor.u32 $0x1F, v6;
	v59 =	vld.idx.msk [tilespmem:v53+s0+$0x0], $0xffff  }
0x27f: {  	v60 =	vor.u32 $0x1F, v10;
	v5 =	vld.idx.msk [tilespmem:v55+s0+$0x0], $0xffff;
	[tilespmem:s12+$0xFFFFFFE0] =	vst v13  }
0x280: {  	v4 =	vld.idx.msk [tilespmem:v56+s0+$0x0], $0xffff;
	[tilespmem:s16+$0x1E0] =	vst v11  }
0x281: {  	v8 =	vld.idx.msk [tilespmem:v57+s0+$0x0], $0xffff;
	[tilespmem:s13+$0xFFFFFFE0] =	vst v61  }
0x282: {  	[tilespmem:s16+$0xFFFFFFE0] =	vst v58;
	v63 =	vld.idx.msk [tilespmem:v62+s0+$0x0], $0xffff  }
0x283: {  	v3 =	vld.idx.msk [tilespmem:v3+s0+$0x0], $0xffff;
	[tilespmem:s13+$0x1E0] =	vst v59  }
0x284: {  	[tilespmem:s12+$0x1F0] =	vst v5;
	v6 =	vld.idx.msk [tilespmem:v60+s0+$0x0], $0xffff  }
0x285: {  	[tilespmem:s12+$0xFFFFFFF0] =	vst v4  }
0x286: {  	[tilespmem:s16+$0x1F0] =	vst v8  }
0x287: {  	[tilespmem:s13+$0xFFFFFFF0] =	vst v63  }
0x288: {  	[tilespmem:s16+$0xFFFFFFF0] =	vst v3;
	s16 =	sshll.u32 s29, $0x1  }
0x289: {  	s10 =	simm.s32 $0x200;
	s29 =	sadd.s32 $0x0, s11;
	s0 =	sadd.s32 s16, s6;
	[tilespmem:s13+$0x1F0] =	vst v6  }
0x28a: {  	[hbm4b:s0+s20] =	stream.strided.scatter [tilespmem:s29], [sflag:$0x3], $0x80, s22, s20, $0x38;
	[tilespmem:$0x1DE00] =	vst v63  }
.LBB2_10:
0x28b: {  	p0 =	seq.s32 s10, $0x18E00  }
.Ltmp3:
0x28c: {  	_ = 	snop;
	(pc) =	sbr.rel @!p0 .LBB2_10-.Ltmp3, $4  }
0x28d: {  	_ = 	snop  }
0x28e: {  	s12 =	sshra.s32 s10, $0x2;
	s10 =	sadd.s32 $0x200, s10  }
0x28f: {  	s0 =	sadd.s32 $0x1000, s0;
	s12 =	sadd.s32 s12, s11  }
0x290: {  	[hbm4b:s0+s20] =	stream.strided.scatter [tilespmem:s12], [sflag:$0x3], $0x80, s22, s20, $0x38;
	[tilespmem:$0x1DE00] =	vst v63  }
0x291: {  	p0 =	seq.s32 s1, $0x8  }
.Ltmp4:
0x292: {  	_ = 	snop;
	(pc) =	sbr.rel @!p0 .LBB2_5-.Ltmp4, $2  }
0x293: {  	_ =	sdelay $0x2  }
0x294: {  	s29 =	smov.u32 s1  }
0x295: {  	s26 =	sadd.s32 $0x1, s26  }
0x296: {  	_ =	swait.ge [sflag:s24], $0x6400;
	p0 =	sne.s32 s26, s7  }
.Ltmp5:
0x297: {  	[sflag:s24] =	ssyncset.done $0x0;
	(pc) =	sbr.rel @p0 .LBB2_1-.Ltmp5, $4  }
0x298: {  	[sflag:s24] =	ssyncadd.s32 $0xFFFF9C00  }
0x299: {  	_ =	swait.ge [sflag:s24], $0x6400  }
0x29a: {  	[sflag:s24] =	ssyncset.done $0x0  }
0x29b: {  	[sflag:s24] =	ssyncadd.s32 $0xFFFF9C00  }
0x29c: {  	_ =	sfence.sel $0x180000  }
0x29d: {  	[bflag:$0x0] =	sbarrier.arrive $0xFFFF  }
0x29e: {  	_ =	strace $0x90000047  }
0x29f: {  	s0 =	stileid.u32;
	[bflag:$0x2] =	sbarrier.arrive $0xFFFF  }
0x2a0: {  	p0 =	sne.s32 s0, $0x0;
	s0 =	rddreg [dreg:$0x2]  }
0x2a1: {  	s0 =	sadd.s32 @!p0 $0x100000, s0  }
0x2a2: {  	[sflag:s0] =	ssyncadd.tile.s32 @!p0 $0x1;
	_ =	shalt  }
.Lfunc_end2:
_tile_overlayer_lowered:
.L_overlay_start_2:
0x2a3: {  	(tag) =	ssettag $0x2  }
0x2a4: {  	s0 =	rddreg [dreg:$0x0];
	s2 =	stileid.u32  }
0x2a5: {  	s1 =	rddreg [dreg:$0x1];
	p0 =	sne.s32 s2, $0x0  }
0x2a6: {  	s3 =	rddreg [dreg:$0x2];
	[bflag:$0x3] =	sbarrier.arrive $0xFFFF;
	s2 =	simm.s32 @!p0 $0x1C04  }
0x2a7: {  	[timem:s3], [sflag:s2] =	dma.local @!p0 [hbm:s0], s1  }
0x2a8: {  	s0 =	simm.s32 @!p0 $0x4  }
0x2a9: {  	_ =	swait.ge @!p0 [sflag:s0], s1  }
0x2aa: {  	s1 =	ssub.s32 @!p0 $0x0, s1;
	[sflag:s0] =	ssyncset.done @!p0 $0x0  }
0x2ab: {  	[sflag:s0] =	ssyncadd.s32 @!p0 s1  }
0x2ac: {  	[bflag:$0x3] =	sbarrier.arrive $0xFFFF  }
0x2ad: {  	_ =	shalt  }

</sc_bundles>
